<compile_context>
chip_gen: v7x
topology: tpu7x:2x2x1
jax: 0.10.2.dev20260603
libtpu: 0.0.44.dev20260713+nightly
codegen_flags: <defaults>
</compile_context>

<pallas_src>
import functools

import jax
import jax.numpy as jnp
from jax import lax
from jax.experimental import pallas as pl
from jax.experimental.pallas import tpu as pltpu
from jax.experimental.pallas import tpu_sc as plsc

F32 = jnp.float32



def _prep_conv1(w):
    wt = jnp.transpose(w, (2, 3, 1, 0))
    taps = []
    for dy in range(2):
        for dx in range(2):
            cols = []
            for v in range(2):
                for u in range(2):
                    m = jnp.zeros((4, 4, 3, 128), F32)
                    for p4y in range(4):
                        ky = 4 * dy + p4y - 2 * v
                        if not 0 <= ky < 4:
                            continue
                        for p4x in range(4):
                            kx = 4 * dx + p4x - 2 * u
                            if 0 <= kx < 4:
                                m = m.at[p4y, p4x].set(wt[ky, kx])
                    cols.append(m.reshape(48, 128))
            taps.append(jnp.concatenate(cols, axis=1))
    return jnp.stack(taps)


def _prep_conv2(w):
    wt = jnp.transpose(w, (2, 3, 1, 0))
    mats = []
    for py in range(2):
        for px in range(2):
            for dy in range(2):
                for dx in range(2):
                    mats.append(wt[2 * dy + py, 2 * dx + px])
    return jnp.stack(mats)


def _prep_s1(w):
    return jnp.transpose(w, (2, 3, 1, 0)).reshape(9, w.shape[1], w.shape[0])


_TCONV_VALID = {}
for _s in range(3):
    for _sx in range(3):
        _TCONV_VALID[(_s, _sx)] = [
            (py, px) for py in range(2) if 0 <= _s - py <= 1
            for px in range(2) if 0 <= _sx - px <= 1]


def _prep_tconv(wt):
    mats = {}
    for (s, sx), valid in _TCONV_VALID.items():
        cols = [wt[:, :, 3 - py - 2 * (s - py), 3 - px - 2 * (sx - px)]
                for py, px in valid]
        mats[(s, sx)] = jnp.concatenate(cols, axis=1)
    return mats


def _prep_tconv2_packed(wt):
    Cin, Cout = wt.shape[0], wt.shape[1]
    zero = jnp.zeros((Cin, Cout), F32)
    mats = []
    for a in range(4):
        for b in range(4):
            cols = []
            for t in range(2):
                for u in range(2):
                    for qy in range(2):
                        for qx in range(2):
                            ey, ex = a - t, b - u
                            ok = (0 <= ey <= 2 and 0 <= ex <= 2
                                  and ey - qy in (0, 1) and ex - qx in (0, 1))
                            cols.append(
                                wt[:, :, 3 + qy - 2 * ey, 3 + qx - 2 * ex]
                                if ok else zero)
            mats.append(jnp.concatenate(cols, axis=1))
    return jnp.stack(mats)



def _enc_body(xs_ref, w1_ref, b1_ref, w2_ref, b2_ref, w3_ref, b3_ref,
              cbt_ref, idx_ref, loss_ref, p1_ref, h2_ref):
    n = pl.program_id(0)

    @pl.when(n == 0)
    def _():
        p1_ref[...] = jnp.zeros((2, 2, 58, 64, 128), F32)
        h2_ref[...] = jnp.zeros((58, 64, 128), F32)
        loss_ref[...] = jnp.zeros((1, 1), F32)

    acc1 = jnp.zeros((3136, 512), F32)
    for dy in range(2):
        for dx in range(2):
            xs = xs_ref[0, dy:dy + 56, dx:dx + 56, :].reshape(3136, 48)
            acc1 = acc1 + jnp.dot(xs, w1_ref[dy * 2 + dx],
                                  preferred_element_type=F32)
    acc1 = jnp.maximum(acc1 + b1_ref[:], 0.0)
    for v in range(2):
        for u in range(2):
            p = (v * 2 + u) * 128
            p1_ref[v, u, 1:57, 1:57, :] = acc1[:, p:p + 128].reshape(56, 56, 128)

    acc = jnp.zeros((3136, 128), F32)
    for py in range(2):
        for px in range(2):
            for dy in range(2):
                for dx in range(2):
                    xs = p1_ref[py ^ 1, px ^ 1, dy + py:dy + py + 56,
                                dx + px:dx + px + 56, :].reshape(3136, 128)
                    acc = acc + jnp.dot(xs, w2_ref[((py * 2 + px) * 2 + dy) * 2 + dx],
                                        preferred_element_type=F32)
    acc = jnp.maximum(acc + b2_ref[:], 0.0)
    h2_ref[1:57, 1:57, :] = acc.reshape(56, 56, 128)

    acc = jnp.zeros((3136, 32), F32)
    for ky in range(3):
        for kx in range(3):
            xs = h2_ref[ky:ky + 56, kx:kx + 56, :].reshape(3136, 128)
            acc = acc + jnp.dot(xs, w3_ref[ky * 3 + kx], preferred_element_type=F32)
    z = acc + b3_ref[:]

    cb_sq = jnp.sum(cbt_ref[:] ** 2, axis=0, keepdims=True)
    loss_part = jnp.sum(z * z).reshape(1, 1)
    for c in range(4):
        zc = z[c * 784:(c + 1) * 784, :]
        scores = cb_sq - 2.0 * jnp.dot(zc, cbt_ref[:], preferred_element_type=F32)
        iota = jax.lax.broadcasted_iota(jnp.int32, (784, 1024), 1)
        m = jnp.min(scores, axis=1, keepdims=True)
        idx = jnp.min(jnp.where(scores == m, iota, 1024), axis=1, keepdims=True)
        loss_part = loss_part + jnp.sum(m).reshape(1, 1)
        idx_ref[0, c * 784:(c + 1) * 784, :] = idx
    loss_ref[:] = loss_ref[:] + loss_part



def _sc_codebook_gather(codebook, idx_flat):
    B = idx_flat.shape[0]
    D = codebook.shape[1]
    info = plsc.get_sparse_core_info()
    NW = info.num_cores * info.num_subcores
    n_chunks = 2
    assert B % (8 * NW * n_chunks) == 0
    b_per_c = B // (NW * n_chunks)
    mesh = plsc.VectorSubcoreMesh(core_axis_name="c", subcore_axis_name="s")

    @functools.partial(
        pl.kernel, mesh=mesh,
        out_type=jax.ShapeDtypeStruct((B, D), F32),
        scratch_types=[
            pltpu.VMEM((b_per_c,), jnp.int32),
            pltpu.VMEM((b_per_c, D), F32),
            pltpu.SemaphoreType.DMA,
        ],
    )
    def k(table_hbm, idx_hbm, out_hbm, idx_v, rows_v, sem):
        wid = lax.axis_index("s") * info.num_cores + lax.axis_index("c")
        for c in range(n_chunks):
            base = (wid * n_chunks + c) * b_per_c
            pltpu.sync_copy(idx_hbm.at[pl.ds(base, b_per_c)], idx_v)
            pltpu.async_copy(table_hbm.at[idx_v], rows_v, sem).wait()
            pltpu.sync_copy(rows_v, out_hbm.at[pl.ds(base, b_per_c)])

    return k(codebook, idx_flat)



_T2 = {0: (1, 0), 1: (0, 1), 2: (1, 1), 3: (0, 2)}
_CORNERS = [(0, 0), (0, 2), (2, 0), (2, 2)]
_EDGES = [(0, 1), (1, 0), (1, 2), (2, 1)]


def _dec_body(q_ref, w5_ref, b5_ref, w6k_ref, w6e_ref, w6c_ref, b6_ref,
              w7_ref, b7_ref, o_ref, qp_ref, h5_ref, p6_ref):
    n = pl.program_id(0)

    @pl.when(n == 0)
    def _():
        qp_ref[...] = jnp.zeros((58, 64, 32), F32)
        h5_ref[...] = jnp.zeros((58, 64, 128), F32)
        p6_ref[...] = jnp.zeros((2, 2, 58, 64, 128), F32)

    qp_ref[1:57, 1:57, :] = q_ref[0, :, :, 0:32]

    acc = jnp.zeros((3136, 128), F32)
    for ky in range(3):
        for kx in range(3):
            xs = qp_ref[ky:ky + 56, kx:kx + 56, :].reshape(3136, 32)
            acc = acc + jnp.dot(xs, w5_ref[ky * 3 + kx],
                                preferred_element_type=F32)
    acc = jnp.maximum(acc + b5_ref[:], 0.0)
    h5_ref[1:57, 1:57, :] = acc.reshape(56, 56, 128)

    accs6 = [[jnp.zeros((3136, 128), F32) for _ in range(2)] for _ in range(2)]
    for s in range(3):
        for sx in range(3):
            valid = _TCONV_VALID[(s, sx)]
            if (s, sx) == (1, 1):
                w = w6c_ref[:]
            elif len(valid) == 2:
                w = w6e_ref[_EDGES.index((s, sx))]
            else:
                w = w6k_ref[_CORNERS.index((s, sx))]
            xs = h5_ref[s:s + 56, sx:sx + 56, :].reshape(3136, 128)
            r = jnp.dot(xs, w, preferred_element_type=F32)
            for i, (py, px) in enumerate(valid):
                accs6[py][px] = accs6[py][px] + r[:, i * 128:(i + 1) * 128]
    for py in range(2):
        for px in range(2):
            acc = jnp.maximum(accs6[py][px] + b6_ref[:], 0.0)
            p6_ref[py, px, 1:57, 1:57, :] = acc.reshape(56, 56, 128)

    acc48 = jnp.zeros((3136, 48), F32)
    for a in range(4):
        wy, jy = _T2[a]
        for b in range(4):
            wx, jx = _T2[b]
            xs = p6_ref[wy, wx, jy:jy + 56, jx:jx + 56, :].reshape(3136, 128)
            acc48 = acc48 + jnp.dot(xs, w7_ref[a * 4 + b],
                                    preferred_element_type=F32)
    acc48 = acc48 + b7_ref[:]
    o_ref[0] = acc48.reshape(56, 56, 48)



def kernel(x, enc_w1, enc_b1, enc_w2, enc_b2, enc_w3, enc_b3, codebook,
           dec_w1, dec_b1, dec_wt1, dec_bt1, dec_wt2, dec_bt2):
    N = x.shape[0]

    w1 = _prep_conv1(enc_w1)
    w2 = _prep_conv2(enc_w2)
    w3 = _prep_s1(enc_w3)
    w5 = _prep_s1(dec_w1)
    w6m = _prep_tconv(dec_wt1)
    w6k = jnp.stack([w6m[c] for c in _CORNERS])
    w6e = jnp.stack([w6m[e] for e in _EDGES])
    w6c = w6m[(1, 1)]
    w7 = _prep_tconv2_packed(dec_wt2)
    b1 = jnp.tile(enc_b1, 4).reshape(1, -1)
    b2 = enc_b2.reshape(1, -1)
    b3 = enc_b3.reshape(1, -1)
    b5 = dec_b1.reshape(1, -1)
    b6 = dec_bt1.reshape(1, -1)
    b7 = jnp.tile(dec_bt2, 16).reshape(1, -1)

    xh = jnp.transpose(x, (0, 2, 3, 1))
    xp = jnp.pad(xh, ((0, 0), (1, 3), (1, 3), (0, 0)))
    xs4 = xp.reshape(N, 57, 4, 57, 4, 3).transpose(0, 1, 3, 2, 4, 5)
    xs4 = jnp.pad(xs4.reshape(N, 57, 57, 48), ((0, 0), (0, 0), (0, 7), (0, 0)))

    idx3, loss_sum = pl.pallas_call(
        _enc_body,
        grid=(N,),
        in_specs=[
            pl.BlockSpec((1, 57, 64, 48), lambda n: (n, 0, 0, 0)),
            pl.BlockSpec((4, 48, 512), lambda n: (0, 0, 0)),
            pl.BlockSpec((1, 512), lambda n: (0, 0)),
            pl.BlockSpec((16, 128, 128), lambda n: (0, 0, 0)),
            pl.BlockSpec((1, 128), lambda n: (0, 0)),
            pl.BlockSpec((9, 128, 32), lambda n: (0, 0, 0)),
            pl.BlockSpec((1, 32), lambda n: (0, 0)),
            pl.BlockSpec((32, 1024), lambda n: (0, 0)),
        ],
        out_specs=[
            pl.BlockSpec((1, 3136, 1), lambda n: (n, 0, 0)),
            pl.BlockSpec((1, 1), lambda n: (0, 0)),
        ],
        out_shape=[
            jax.ShapeDtypeStruct((N, 3136, 1), jnp.int32),
            jax.ShapeDtypeStruct((1, 1), F32),
        ],
        scratch_shapes=[
            pltpu.VMEM((2, 2, 58, 64, 128), F32),
            pltpu.VMEM((58, 64, 128), F32),
        ],
    )(xs4, w1, b1, w2, b2, w3, b3, jnp.transpose(codebook))

    cb_pad = jnp.pad(codebook, ((0, 0), (0, 96)))
    q_flat = _sc_codebook_gather(cb_pad, idx3.reshape(N * 3136))
    q = q_flat.reshape(N, 56, 56, 128)

    out = pl.pallas_call(
        _dec_body,
        grid=(N,),
        in_specs=[
            pl.BlockSpec((1, 56, 56, 128), lambda n: (n, 0, 0, 0)),
            pl.BlockSpec((9, 32, 128), lambda n: (0, 0, 0)),
            pl.BlockSpec((1, 128), lambda n: (0, 0)),
            pl.BlockSpec((4, 128, 128), lambda n: (0, 0, 0)),
            pl.BlockSpec((4, 128, 256), lambda n: (0, 0, 0)),
            pl.BlockSpec((128, 512), lambda n: (0, 0)),
            pl.BlockSpec((1, 128), lambda n: (0, 0)),
            pl.BlockSpec((16, 128, 48), lambda n: (0, 0, 0)),
            pl.BlockSpec((1, 48), lambda n: (0, 0)),
        ],
        out_specs=pl.BlockSpec((1, 56, 56, 48), lambda n: (n, 0, 0, 0)),
        out_shape=jax.ShapeDtypeStruct((N, 56, 56, 48), F32),
        scratch_shapes=[
            pltpu.VMEM((58, 64, 32), F32),
            pltpu.VMEM((58, 64, 128), F32),
            pltpu.VMEM((2, 2, 58, 64, 128), F32),
        ],
    )(q, w5, b5, w6k, w6e, w6c, b6, w7, b7)

    o = out.reshape(N, 56, 56, 2, 2, 2, 2, 3)
    o = o.transpose(0, 1, 3, 5, 2, 4, 6, 7).reshape(N, 224, 224, 3)
    o = o.transpose(0, 3, 1, 2)

    loss = (1.25 / (N * 56 * 56 * 32)) * loss_sum[0, 0]
    return (o, loss)

# --- scband reference (transcript-rebuilt; emitter-appended) ---
"""Pipeline reference for scband-vqvae-29738353558075 (READ-ONLY COPY).

The authoritative reference and input builder live on the scoring server;
editing this copy changes nothing except your own understanding.
"""

import jax, jax.numpy as jnp
import numpy as np


def conv2d(x, w, b, stride, pad):
    out = jax.lax.conv_general_dilated(x, w, (stride, stride), [(pad, pad), (pad, pad)], dimension_numbers=('NCHW', 'OIHW', 'NCHW'))
    return out + b[None, :, None, None]


def conv_transpose2d(x, w, b, stride, pad):
    # torch ConvTranspose2d semantics; w has torch layout (Cin, Cout, kH, kW)
    k = w.shape[2]
    w_t = jnp.transpose(jnp.flip(w, (2, 3)), (1, 0, 2, 3))
    out = jax.lax.conv_general_dilated(x, w_t, (1, 1), [(k - 1 - pad, k - 1 - pad), (k - 1 - pad, k - 1 - pad)], lhs_dilation=(stride, stride), dimension_numbers=('NCHW', 'OIHW', 'NCHW'))
    return out + b[None, :, None, None]


def encoder(x, p):
    h = jax.nn.relu(conv2d(x, p['enc_w1'], p['enc_b1'], 2, 1))
    h = jax.nn.relu(conv2d(h, p['enc_w2'], p['enc_b2'], 2, 1))
    return conv2d(h, p['enc_w3'], p['enc_b3'], 1, 1)


def decoder(z, p):
    h = jax.nn.relu(conv2d(z, p['dec_w1'], p['dec_b1'], 1, 1))
    h = jax.nn.relu(conv_transpose2d(h, p['dec_wt1'], p['dec_bt1'], 2, 1))
    return conv_transpose2d(h, p['dec_wt2'], p['dec_bt2'], 2, 1)


def vector_quantizer(z, codebook, beta):
    # z: (B, D, H, W); returns (loss, quantized NCHW with straight-through)
    B, D, H, W = z.shape
    z_perm = jnp.transpose(z, (0, 2, 3, 1))
    flat = z_perm.reshape(-1, D)
    d = jnp.sum(flat ** 2, axis=1, keepdims=True) + jnp.sum(codebook ** 2, axis=1)[None, :] - 2.0 * flat @ codebook.T
    idx = jnp.argmin(d, axis=1)
    q = jnp.take(codebook, idx, axis=0).reshape(B, H, W, D)
    e_latent = jnp.mean((jax.lax.stop_gradient(q) - z_perm) ** 2)
    q_latent = jnp.mean((q - jax.lax.stop_gradient(z_perm)) ** 2)
    loss = q_latent + beta * e_latent
    q_st = z_perm + jax.lax.stop_gradient(q - z_perm)
    return loss, jnp.transpose(q_st, (0, 3, 1, 2))


def setup_inputs(seed: int = 0):
    key = jax.random.key(seed)
    ks = jax.random.split(key, 9)
    s = 0.05
    inp = {}
    inp['x'] = jax.random.normal(ks[0], (16, 3, 224, 224), dtype=jnp.float32)
    inp['enc_w1'] = jax.random.normal(ks[1], (128, 3, 4, 4), dtype=jnp.float32) * s
    inp['enc_b1'] = jnp.zeros((128,), jnp.float32)
    inp['enc_w2'] = jax.random.normal(ks[2], (128, 128, 4, 4), dtype=jnp.float32) * s
    inp['enc_b2'] = jnp.zeros((128,), jnp.float32)
    inp['enc_w3'] = jax.random.normal(ks[3], (32, 128, 3, 3), dtype=jnp.float32) * s
    inp['enc_b3'] = jnp.zeros((32,), jnp.float32)
    inp['codebook'] = jax.random.normal(ks[4], (1024, 32), dtype=jnp.float32) * s
    inp['dec_w1'] = jax.random.normal(ks[5], (128, 32, 3, 3), dtype=jnp.float32) * s
    inp['dec_b1'] = jnp.zeros((128,), jnp.float32)
    inp['dec_wt1'] = jax.random.normal(ks[6], (128, 128, 4, 4), dtype=jnp.float32) * s
    inp['dec_bt1'] = jnp.zeros((128,), jnp.float32)
    inp['dec_wt2'] = jax.random.normal(ks[7], (128, 3, 4, 4), dtype=jnp.float32) * s
    inp['dec_bt2'] = jnp.zeros((3,), jnp.float32)
    return inp


def reference(x, enc_w1, enc_b1, enc_w2, enc_b2, enc_w3, enc_b3, codebook, dec_w1, dec_b1, dec_wt1, dec_bt1, dec_wt2, dec_bt2):
    p = dict(enc_w1=enc_w1, enc_b1=enc_b1, enc_w2=enc_w2, enc_b2=enc_b2, enc_w3=enc_w3, enc_b3=enc_b3,
             dec_w1=dec_w1, dec_b1=dec_b1, dec_wt1=dec_wt1, dec_bt1=dec_bt1, dec_wt2=dec_wt2, dec_bt2=dec_bt2)
    z = encoder(x, p)
    loss, q = vector_quantizer(z, codebook, 0.25)
    out = decoder(q, p)
    return (out, loss)

if __name__ == "__main__":
    import jax
    _d = setup_inputs()
    print(jax.jit(kernel)(*tuple(_d.values())))

</pallas_src>

<mosaic_0001>
#map = affine_map<(d0, d1) -> (0, 0)>
#map1 = affine_map<(d0, d1) -> (0)>
module attributes {stable_mosaic.version = 14 : i64} {
  func.func @k(%arg0: i32, %arg1: i32, %arg2: memref<1024x128xf32, #tpu.memory_space<hbm>>, %arg3: memref<50176xi32, #tpu.memory_space<hbm>>, %arg4: memref<50176x128xf32, #tpu.memory_space<hbm>>, %arg5: memref<784xi32, #tpu.memory_space<vmem>>, %arg6: memref<784x128xf32, #tpu.memory_space<vmem>>, %arg7: memref<!tpu.dma_semaphore, #tpu.memory_space<semaphore_mem>>) attributes {dimension_semantics = [#tpu.dimension_semantics<core_parallel>, #tpu.dimension_semantics<subcore_parallel>], iteration_bounds = array<i64: 2, 16>, scalar_prefetch = 0 : i64, scratch_operands = 3 : i64, tpu.core_type = #tpu.core_type<sc_vector_subcore>, window_params = [{transform_indices = #map}, {transform_indices = #map1}, {transform_indices = #map}]} {
    %mul3A = arith.constant 2 : i32
    %mul3A_0 = arith.muli %arg1, %mul3A : i32
    %add3A = arith.addi %mul3A_0, %arg0 : i32
    %mul3A_1 = arith.constant 2 : i32
    %mul3A_2 = arith.muli %add3A, %mul3A_1 : i32
    %add3A_3 = arith.constant 0 : i32
    %add3A_4 = arith.addi %mul3A_2, %add3A_3 : i32
    %mul3A_5 = arith.constant 784 : i32
    %mul3A_6 = arith.muli %add3A_4, %mul3A_5 : i32
    "tpu.region"() ({
      %run_scoped3A = tpu.sem_alloc : memref<!tpu.dma_semaphore, #tpu.memory_space<semaphore_mem>>
      %dma_start3A_23 = tpu.memref_slice %arg3[%mul3A_6] : memref<50176xi32, #tpu.memory_space<hbm>> -> memref<784xi32, #tpu.memory_space<hbm>>
      %dma_start3A_24 = tpu.memref_slice %arg3[%mul3A_6] : memref<50176xi32, #tpu.memory_space<hbm>> -> memref<784xi32, #tpu.memory_space<hbm>>
      tpu.enqueue_dma source(%dma_start3A_24 : memref<784xi32, #tpu.memory_space<hbm>>) target(%arg5 : memref<784xi32, #tpu.memory_space<vmem>>) target_semaphore(%run_scoped3A : memref<!tpu.dma_semaphore, #tpu.memory_space<semaphore_mem>>)
      %dma_wait3A_25 = tpu.memref_slice %arg3[%mul3A_6] : memref<50176xi32, #tpu.memory_space<hbm>> -> memref<784xi32, #tpu.memory_space<hbm>>
      %dma_wait3A_26 = tpu.memref_slice %arg3[%mul3A_6] : memref<50176xi32, #tpu.memory_space<hbm>> -> memref<784xi32, #tpu.memory_space<hbm>>
      tpu.wait_dma2 semaphore(%run_scoped3A : memref<!tpu.dma_semaphore, #tpu.memory_space<semaphore_mem>>) src(%dma_wait3A_26 : memref<784xi32, #tpu.memory_space<hbm>>) dst(%arg5 : memref<784xi32, #tpu.memory_space<vmem>>)
      tpu.yield
    }) : () -> ()
    %dma_start3A = arith.constant 0 : i32
    %dma_start3A_7 = arith.constant 0 : i32
    %dma_start3A_8 = tpu.memref_slice %arg2[%dma_start3A, %dma_start3A_7] : memref<1024x128xf32, #tpu.memory_space<hbm>> -> memref<1024x128xf32, #tpu.memory_space<hbm>>
    tpu.enqueue_indirect_dma source(%dma_start3A_8 : memref<1024x128xf32, #tpu.memory_space<hbm>>) target(%arg6 : memref<784x128xf32, #tpu.memory_space<vmem>>) offsets(%arg5 : memref<784xi32, #tpu.memory_space<vmem>>) semaphore(%arg7 : memref<!tpu.dma_semaphore, #tpu.memory_space<semaphore_mem>>)
    %dma_wait3A = arith.constant 0 : i32
    %dma_wait3A_9 = arith.constant 0 : i32
    %dma_wait3A_10 = tpu.memref_slice %arg2[%dma_wait3A, %dma_wait3A_9] : memref<1024x128xf32, #tpu.memory_space<hbm>> -> memref<1024x128xf32, #tpu.memory_space<hbm>>
    tpu.wait_indirect_dma semaphore(%arg7 : memref<!tpu.dma_semaphore, #tpu.memory_space<semaphore_mem>>) src(%dma_wait3A_10 : memref<1024x128xf32, #tpu.memory_space<hbm>>) dst(%arg6 : memref<784x128xf32, #tpu.memory_space<vmem>>)
    "tpu.region"() ({
      %run_scoped3A = tpu.sem_alloc : memref<!tpu.dma_semaphore, #tpu.memory_space<semaphore_mem>>
      %dma_start3A_23 = arith.constant 0 : i32
      %dma_start3A_24 = tpu.memref_slice %arg4[%mul3A_6, %dma_start3A_23] : memref<50176x128xf32, #tpu.memory_space<hbm>> -> memref<784x128xf32, #tpu.memory_space<hbm>>
      %dma_start3A_25 = arith.constant 0 : i32
      %dma_start3A_26 = tpu.memref_slice %arg4[%mul3A_6, %dma_start3A_25] : memref<50176x128xf32, #tpu.memory_space<hbm>> -> memref<784x128xf32, #tpu.memory_space<hbm>>
      tpu.enqueue_dma source(%arg6 : memref<784x128xf32, #tpu.memory_space<vmem>>) target(%dma_start3A_26 : memref<784x128xf32, #tpu.memory_space<hbm>>) target_semaphore(%run_scoped3A : memref<!tpu.dma_semaphore, #tpu.memory_space<semaphore_mem>>)
      %dma_wait3A_27 = arith.constant 0 : i32
      %dma_wait3A_28 = tpu.memref_slice %arg4[%mul3A_6, %dma_wait3A_27] : memref<50176x128xf32, #tpu.memory_space<hbm>> -> memref<784x128xf32, #tpu.memory_space<hbm>>
      %dma_wait3A_29 = arith.constant 0 : i32
      %dma_wait3A_30 = tpu.memref_slice %arg4[%mul3A_6, %dma_wait3A_29] : memref<50176x128xf32, #tpu.memory_space<hbm>> -> memref<784x128xf32, #tpu.memory_space<hbm>>
      tpu.wait_dma2 semaphore(%run_scoped3A : memref<!tpu.dma_semaphore, #tpu.memory_space<semaphore_mem>>) src(%arg6 : memref<784x128xf32, #tpu.memory_space<vmem>>) dst(%dma_wait3A_30 : memref<784x128xf32, #tpu.memory_space<hbm>>)
      tpu.yield
    }) : () -> ()
    %mul3A_11 = arith.constant 2 : i32
    %mul3A_12 = arith.muli %add3A, %mul3A_11 : i32
    %add3A_13 = arith.constant 1 : i32
    %add3A_14 = arith.addi %mul3A_12, %add3A_13 : i32
    %mul3A_15 = arith.constant 784 : i32
    %mul3A_16 = arith.muli %add3A_14, %mul3A_15 : i32
    "tpu.region"() ({
      %run_scoped3A = tpu.sem_alloc : memref<!tpu.dma_semaphore, #tpu.memory_space<semaphore_mem>>
      %dma_start3A_23 = tpu.memref_slice %arg3[%mul3A_16] : memref<50176xi32, #tpu.memory_space<hbm>> -> memref<784xi32, #tpu.memory_space<hbm>>
      %dma_start3A_24 = tpu.memref_slice %arg3[%mul3A_16] : memref<50176xi32, #tpu.memory_space<hbm>> -> memref<784xi32, #tpu.memory_space<hbm>>
      tpu.enqueue_dma source(%dma_start3A_24 : memref<784xi32, #tpu.memory_space<hbm>>) target(%arg5 : memref<784xi32, #tpu.memory_space<vmem>>) target_semaphore(%run_scoped3A : memref<!tpu.dma_semaphore, #tpu.memory_space<semaphore_mem>>)
      %dma_wait3A_25 = tpu.memref_slice %arg3[%mul3A_16] : memref<50176xi32, #tpu.memory_space<hbm>> -> memref<784xi32, #tpu.memory_space<hbm>>
      %dma_wait3A_26 = tpu.memref_slice %arg3[%mul3A_16] : memref<50176xi32, #tpu.memory_space<hbm>> -> memref<784xi32, #tpu.memory_space<hbm>>
      tpu.wait_dma2 semaphore(%run_scoped3A : memref<!tpu.dma_semaphore, #tpu.memory_space<semaphore_mem>>) src(%dma_wait3A_26 : memref<784xi32, #tpu.memory_space<hbm>>) dst(%arg5 : memref<784xi32, #tpu.memory_space<vmem>>)
      tpu.yield
    }) : () -> ()
    %dma_start3A_17 = arith.constant 0 : i32
    %dma_start3A_18 = arith.constant 0 : i32
    %dma_start3A_19 = tpu.memref_slice %arg2[%dma_start3A_17, %dma_start3A_18] : memref<1024x128xf32, #tpu.memory_space<hbm>> -> memref<1024x128xf32, #tpu.memory_space<hbm>>
    tpu.enqueue_indirect_dma source(%dma_start3A_19 : memref<1024x128xf32, #tpu.memory_space<hbm>>) target(%arg6 : memref<784x128xf32, #tpu.memory_space<vmem>>) offsets(%arg5 : memref<784xi32, #tpu.memory_space<vmem>>) semaphore(%arg7 : memref<!tpu.dma_semaphore, #tpu.memory_space<semaphore_mem>>)
    %dma_wait3A_20 = arith.constant 0 : i32
    %dma_wait3A_21 = arith.constant 0 : i32
    %dma_wait3A_22 = tpu.memref_slice %arg2[%dma_wait3A_20, %dma_wait3A_21] : memref<1024x128xf32, #tpu.memory_space<hbm>> -> memref<1024x128xf32, #tpu.memory_space<hbm>>
    tpu.wait_indirect_dma semaphore(%arg7 : memref<!tpu.dma_semaphore, #tpu.memory_space<semaphore_mem>>) src(%dma_wait3A_22 : memref<1024x128xf32, #tpu.memory_space<hbm>>) dst(%arg6 : memref<784x128xf32, #tpu.memory_space<vmem>>)
    "tpu.region"() ({
      %run_scoped3A = tpu.sem_alloc : memref<!tpu.dma_semaphore, #tpu.memory_space<semaphore_mem>>
      %dma_start3A_23 = arith.constant 0 : i32
      %dma_start3A_24 = tpu.memref_slice %arg4[%mul3A_16, %dma_start3A_23] : memref<50176x128xf32, #tpu.memory_space<hbm>> -> memref<784x128xf32, #tpu.memory_space<hbm>>
      %dma_start3A_25 = arith.constant 0 : i32
      %dma_start3A_26 = tpu.memref_slice %arg4[%mul3A_16, %dma_start3A_25] : memref<50176x128xf32, #tpu.memory_space<hbm>> -> memref<784x128xf32, #tpu.memory_space<hbm>>
      tpu.enqueue_dma source(%arg6 : memref<784x128xf32, #tpu.memory_space<vmem>>) target(%dma_start3A_26 : memref<784x128xf32, #tpu.memory_space<hbm>>) target_semaphore(%run_scoped3A : memref<!tpu.dma_semaphore, #tpu.memory_space<semaphore_mem>>)
      %dma_wait3A_27 = arith.constant 0 : i32
      %dma_wait3A_28 = tpu.memref_slice %arg4[%mul3A_16, %dma_wait3A_27] : memref<50176x128xf32, #tpu.memory_space<hbm>> -> memref<784x128xf32, #tpu.memory_space<hbm>>
      %dma_wait3A_29 = arith.constant 0 : i32
      %dma_wait3A_30 = tpu.memref_slice %arg4[%mul3A_16, %dma_wait3A_29] : memref<50176x128xf32, #tpu.memory_space<hbm>> -> memref<784x128xf32, #tpu.memory_space<hbm>>
      tpu.wait_dma2 semaphore(%run_scoped3A : memref<!tpu.dma_semaphore, #tpu.memory_space<semaphore_mem>>) src(%arg6 : memref<784x128xf32, #tpu.memory_space<vmem>>) dst(%dma_wait3A_30 : memref<784x128xf32, #tpu.memory_space<hbm>>)
      tpu.yield
    }) : () -> ()
    return
  }
}

module attributes {stable_mosaic.version = 14 : i64} {
  func.func @_enc_body(%arg0: i32, %arg1: memref<1x57x64x48xf32, #tpu.memory_space<vmem>>, %arg2: memref<4x48x512xf32, #tpu.memory_space<vmem>>, %arg3: memref<1x512xf32, #tpu.memory_space<vmem>>, %arg4: memref<16x128x128xf32, #tpu.memory_space<vmem>>, %arg5: memref<1x128xf32, #tpu.memory_space<vmem>>, %arg6: memref<9x128x32xf32, #tpu.memory_space<vmem>>, %arg7: memref<1x32xf32, #tpu.memory_space<vmem>>, %arg8: memref<32x1024xf32, #tpu.memory_space<vmem>>, %arg9: memref<1x3136x1xi32, #tpu.memory_space<vmem>>, %arg10: memref<1x1xf32, #tpu.memory_space<vmem>>, %arg11: memref<2x2x58x64x128xf32, #tpu.memory_space<vmem>>, %arg12: memref<58x64x128xf32, #tpu.memory_space<vmem>>) attributes {dimension_semantics = [#tpu.dimension_semantics<arbitrary>], iteration_bounds = array<i64: 16>, scalar_prefetch = 0 : i64, scratch_operands = 2 : i64, tpu.core_type = #tpu.core_type<tc>, window_params = [{transform_indices = @transform_0, window_bounds = array<i64: 1, 57, 64, 48>}, {pipeline_mode = #tpu.pipeline_mode<synchronous>, transform_indices = @transform_1, window_bounds = array<i64: 4, 48, 512>}, {pipeline_mode = #tpu.pipeline_mode<synchronous>, transform_indices = @transform_2, window_bounds = array<i64: 1, 512>}, {pipeline_mode = #tpu.pipeline_mode<synchronous>, transform_indices = @transform_3, window_bounds = array<i64: 16, 128, 128>}, {pipeline_mode = #tpu.pipeline_mode<synchronous>, transform_indices = @transform_4, window_bounds = array<i64: 1, 128>}, {pipeline_mode = #tpu.pipeline_mode<synchronous>, transform_indices = @transform_5, window_bounds = array<i64: 9, 128, 32>}, {pipeline_mode = #tpu.pipeline_mode<synchronous>, transform_indices = @transform_6, window_bounds = array<i64: 1, 32>}, {pipeline_mode = #tpu.pipeline_mode<synchronous>, transform_indices = @transform_7, window_bounds = array<i64: 32, 1024>}, {transform_indices = @transform_8, window_bounds = array<i64: 1, 3136, 1>}, {pipeline_mode = #tpu.pipeline_mode<synchronous>, transform_indices = @transform_9, window_bounds = array<i64: 1, 1>}]} {
    %eq3A = arith.constant 0 : i32
    %eq3A_0 = arith.cmpi eq, %arg0, %eq3A : i32
    %convert_element_type3A = arith.extui %eq3A_0 : i1 to i32
    %cond3A = arith.constant 0 : i32
    %cond3A_1 = arith.cmpi ne, %convert_element_type3A, %cond3A : i32
    scf.if %cond3A_1 {
      %broadcast_in_dim3A_656 = arith.constant 0.000000e+00 : f32
      %broadcast_in_dim3A_657 = vector.broadcast %broadcast_in_dim3A_656 : f32 to vector<2x2x58x64x128xf32>
      %swap3A_658 = arith.constant 0 : index
      %swap3A_659 = arith.constant 0 : index
      %swap3A_660 = arith.constant 0 : index
      %swap3A_661 = arith.constant 0 : index
      %swap3A_662 = arith.constant 0 : index
      %swap3A_663 = vector.load %arg11[%swap3A_658, %swap3A_659, %swap3A_660, %swap3A_661, %swap3A_662] : memref<2x2x58x64x128xf32, #tpu.memory_space<vmem>>, vector<2x2x58x64x128xf32>
      tpu.vector_store %arg11[%swap3A_658, %swap3A_659, %swap3A_660, %swap3A_661, %swap3A_662], %broadcast_in_dim3A_657 {strides = array<i32>} : memref<2x2x58x64x128xf32, #tpu.memory_space<vmem>>, vector<2x2x58x64x128xf32>,
      %broadcast_in_dim3A_664 = arith.constant 0.000000e+00 : f32
      %broadcast_in_dim3A_665 = vector.broadcast %broadcast_in_dim3A_664 : f32 to vector<58x64x128xf32>
      %swap3A_666 = arith.constant 0 : index
      %swap3A_667 = arith.constant 0 : index
      %swap3A_668 = arith.constant 0 : index
      %swap3A_669 = vector.load %arg12[%swap3A_666, %swap3A_667, %swap3A_668] : memref<58x64x128xf32, #tpu.memory_space<vmem>>, vector<58x64x128xf32>
      tpu.vector_store %arg12[%swap3A_666, %swap3A_667, %swap3A_668], %broadcast_in_dim3A_665 {strides = array<i32>} : memref<58x64x128xf32, #tpu.memory_space<vmem>>, vector<58x64x128xf32>,
      %broadcast_in_dim3A_670 = arith.constant 0.000000e+00 : f32
      %broadcast_in_dim3A_671 = vector.broadcast %broadcast_in_dim3A_670 : f32 to vector<1x1xf32>
      %swap3A_672 = arith.constant 0 : index
      %swap3A_673 = arith.constant 0 : index
      %swap3A_674 = vector.load %arg10[%swap3A_672, %swap3A_673] : memref<1x1xf32, #tpu.memory_space<vmem>>, vector<1x1xf32>
      tpu.vector_store %arg10[%swap3A_672, %swap3A_673], %broadcast_in_dim3A_671 {strides = array<i32>} : memref<1x1xf32, #tpu.memory_space<vmem>>, vector<1x1xf32>,
    } else {
    }
    %broadcast_in_dim3A = arith.constant 0.000000e+00 : f32
    %broadcast_in_dim3A_2 = vector.broadcast %broadcast_in_dim3A : f32 to vector<3136x512xf32>
    %get3A = arith.constant 0 : index
    %get3A_3 = arith.constant 0 : index
    %get3A_4 = arith.constant 0 : index
    %get3A_5 = arith.constant 0 : index
    %get3A_6 = vector.load %arg1[%get3A, %get3A_3, %get3A_4, %get3A_5] : memref<1x57x64x48xf32, #tpu.memory_space<vmem>>, vector<1x56x56x48xf32>
    %get3A_7 = vector.shape_cast %get3A_6 : vector<1x56x56x48xf32> to vector<56x56x48xf32>
    %reshape3A = vector.shape_cast %get3A_7 : vector<56x56x48xf32> to vector<3136x48xf32>
    %get3A_8 = arith.constant 0 : index
    %get3A_9 = arith.constant 0 : index
    %get3A_10 = arith.constant 0 : index
    %get3A_11 = vector.load %arg2[%get3A_8, %get3A_9, %get3A_10] : memref<4x48x512xf32, #tpu.memory_space<vmem>>, vector<1x48x512xf32>
    %get3A_12 = vector.shape_cast %get3A_11 : vector<1x48x512xf32> to vector<48x512xf32>
    %dot_general3A = arith.constant dense<0.000000e+00> : vector<3136x512xf32>
    %dot_general3A_13 = tpu.matmul %reshape3A, %get3A_12, %dot_general3A {dimension_numbers = #tpu.dot_dimension_numbers<[1], [0], [0], [1], [0, 0, 1, 1], [], []>, transpose_lhs_hint = false} : vector<3136x48xf32>, vector<48x512xf32>, vector<3136x512xf32> -> vector<3136x512xf32>
    %add3A = arith.addf %broadcast_in_dim3A_2, %dot_general3A_13 : vector<3136x512xf32>
    %get3A_14 = arith.constant 0 : index
    %get3A_15 = arith.constant 0 : index
    %get3A_16 = arith.constant 1 : index
    %get3A_17 = arith.constant 0 : index
    %get3A_18 = vector.load %arg1[%get3A_14, %get3A_15, %get3A_16, %get3A_17] : memref<1x57x64x48xf32, #tpu.memory_space<vmem>>, vector<1x56x56x48xf32>
    %get3A_19 = vector.shape_cast %get3A_18 : vector<1x56x56x48xf32> to vector<56x56x48xf32>
    %reshape3A_20 = vector.shape_cast %get3A_19 : vector<56x56x48xf32> to vector<3136x48xf32>
    %get3A_21 = arith.constant 1 : index
    %get3A_22 = arith.constant 0 : index
    %get3A_23 = arith.constant 0 : index
    %get3A_24 = vector.load %arg2[%get3A_21, %get3A_22, %get3A_23] : memref<4x48x512xf32, #tpu.memory_space<vmem>>, vector<1x48x512xf32>
    %get3A_25 = vector.shape_cast %get3A_24 : vector<1x48x512xf32> to vector<48x512xf32>
    %dot_general3A_26 = arith.constant dense<0.000000e+00> : vector<3136x512xf32>
    %dot_general3A_27 = tpu.matmul %reshape3A_20, %get3A_25, %dot_general3A_26 {dimension_numbers = #tpu.dot_dimension_numbers<[1], [0], [0], [1], [0, 0, 1, 1], [], []>, transpose_lhs_hint = false} : vector<3136x48xf32>, vector<48x512xf32>, vector<3136x512xf32> -> vector<3136x512xf32>
    %add3A_28 = arith.addf %add3A, %dot_general3A_27 : vector<3136x512xf32>
    %get3A_29 = arith.constant 0 : index
    %get3A_30 = arith.constant 1 : index
    %get3A_31 = arith.constant 0 : index
    %get3A_32 = arith.constant 0 : index
    %get3A_33 = vector.load %arg1[%get3A_29, %get3A_30, %get3A_31, %get3A_32] : memref<1x57x64x48xf32, #tpu.memory_space<vmem>>, vector<1x56x56x48xf32>
    %get3A_34 = vector.shape_cast %get3A_33 : vector<1x56x56x48xf32> to vector<56x56x48xf32>
    %reshape3A_35 = vector.shape_cast %get3A_34 : vector<56x56x48xf32> to vector<3136x48xf32>
    %get3A_36 = arith.constant 2 : index
    %get3A_37 = arith.constant 0 : index
    %get3A_38 = arith.constant 0 : index
    %get3A_39 = vector.load %arg2[%get3A_36, %get3A_37, %get3A_38] : memref<4x48x512xf32, #tpu.memory_space<vmem>>, vector<1x48x512xf32>
    %get3A_40 = vector.shape_cast %get3A_39 : vector<1x48x512xf32> to vector<48x512xf32>
    %dot_general3A_41 = arith.constant dense<0.000000e+00> : vector<3136x512xf32>
    %dot_general3A_42 = tpu.matmul %reshape3A_35, %get3A_40, %dot_general3A_41 {dimension_numbers = #tpu.dot_dimension_numbers<[1], [0], [0], [1], [0, 0, 1, 1], [], []>, transpose_lhs_hint = false} : vector<3136x48xf32>, vector<48x512xf32>, vector<3136x512xf32> -> vector<3136x512xf32>
    %add3A_43 = arith.addf %add3A_28, %dot_general3A_42 : vector<3136x512xf32>
    %get3A_44 = arith.constant 0 : index
    %get3A_45 = arith.constant 1 : index
    %get3A_46 = arith.constant 1 : index
    %get3A_47 = arith.constant 0 : index
    %get3A_48 = vector.load %arg1[%get3A_44, %get3A_45, %get3A_46, %get3A_47] : memref<1x57x64x48xf32, #tpu.memory_space<vmem>>, vector<1x56x56x48xf32>
    %get3A_49 = vector.shape_cast %get3A_48 : vector<1x56x56x48xf32> to vector<56x56x48xf32>
    %reshape3A_50 = vector.shape_cast %get3A_49 : vector<56x56x48xf32> to vector<3136x48xf32>
    %get3A_51 = arith.constant 3 : index
    %get3A_52 = arith.constant 0 : index
    %get3A_53 = arith.constant 0 : index
    %get3A_54 = vector.load %arg2[%get3A_51, %get3A_52, %get3A_53] : memref<4x48x512xf32, #tpu.memory_space<vmem>>, vector<1x48x512xf32>
    %get3A_55 = vector.shape_cast %get3A_54 : vector<1x48x512xf32> to vector<48x512xf32>
    %dot_general3A_56 = arith.constant dense<0.000000e+00> : vector<3136x512xf32>
    %dot_general3A_57 = tpu.matmul %reshape3A_50, %get3A_55, %dot_general3A_56 {dimension_numbers = #tpu.dot_dimension_numbers<[1], [0], [0], [1], [0, 0, 1, 1], [], []>, transpose_lhs_hint = false} : vector<3136x48xf32>, vector<48x512xf32>, vector<3136x512xf32> -> vector<3136x512xf32>
    %add3A_58 = arith.addf %add3A_43, %dot_general3A_57 : vector<3136x512xf32>
    %get3A_59 = arith.constant 0 : index
    %get3A_60 = arith.constant 0 : index
    %get3A_61 = vector.load %arg3[%get3A_59, %get3A_60] : memref<1x512xf32, #tpu.memory_space<vmem>>, vector<1x512xf32>
    %add3A_62 = vector.broadcast %get3A_61 : vector<1x512xf32> to vector<3136x512xf32>
    %add3A_63 = arith.addf %add3A_58, %add3A_62 : vector<3136x512xf32>
    %max3A = arith.constant 0.000000e+00 : f32
    %max3A_64 = vector.broadcast %max3A : f32 to vector<3136x512xf32>
    %max3A_65 = arith.maximumf %add3A_63, %max3A_64 : vector<3136x512xf32>
    %slice3A = vector.extract_strided_slice %max3A_65 {offsets = [0, 0], sizes = [3136, 128], strides = [1, 1]} : vector<3136x512xf32> to vector<3136x128xf32>
    %reshape3A_66 = vector.shape_cast %slice3A : vector<3136x128xf32> to vector<56x56x128xf32>
    %swap3A = arith.constant 0 : index
    %swap3A_67 = arith.constant 0 : index
    %swap3A_68 = arith.constant 1 : index
    %swap3A_69 = arith.constant 1 : index
    %swap3A_70 = arith.constant 0 : index
    %swap3A_71 = vector.load %arg11[%swap3A, %swap3A_67, %swap3A_68, %swap3A_69, %swap3A_70] : memref<2x2x58x64x128xf32, #tpu.memory_space<vmem>>, vector<1x1x56x56x128xf32>
    %swap3A_72 = vector.shape_cast %swap3A_71 : vector<1x1x56x56x128xf32> to vector<56x56x128xf32>
    %swap3A_73 = vector.shape_cast %reshape3A_66 : vector<56x56x128xf32> to vector<1x1x56x56x128xf32>
    tpu.vector_store %arg11[%swap3A, %swap3A_67, %swap3A_68, %swap3A_69, %swap3A_70], %swap3A_73 {strides = array<i32>} : memref<2x2x58x64x128xf32, #tpu.memory_space<vmem>>, vector<1x1x56x56x128xf32>,
    %slice3A_74 = vector.extract_strided_slice %max3A_65 {offsets = [0, 128], sizes = [3136, 128], strides = [1, 1]} : vector<3136x512xf32> to vector<3136x128xf32>
    %reshape3A_75 = vector.shape_cast %slice3A_74 : vector<3136x128xf32> to vector<56x56x128xf32>
    %swap3A_76 = arith.constant 0 : index
    %swap3A_77 = arith.constant 1 : index
    %swap3A_78 = arith.constant 1 : index
    %swap3A_79 = arith.constant 1 : index
    %swap3A_80 = arith.constant 0 : index
    %swap3A_81 = vector.load %arg11[%swap3A_76, %swap3A_77, %swap3A_78, %swap3A_79, %swap3A_80] : memref<2x2x58x64x128xf32, #tpu.memory_space<vmem>>, vector<1x1x56x56x128xf32>
    %swap3A_82 = vector.shape_cast %swap3A_81 : vector<1x1x56x56x128xf32> to vector<56x56x128xf32>
    %swap3A_83 = vector.shape_cast %reshape3A_75 : vector<56x56x128xf32> to vector<1x1x56x56x128xf32>
    tpu.vector_store %arg11[%swap3A_76, %swap3A_77, %swap3A_78, %swap3A_79, %swap3A_80], %swap3A_83 {strides = array<i32>} : memref<2x2x58x64x128xf32, #tpu.memory_space<vmem>>, vector<1x1x56x56x128xf32>,
    %slice3A_84 = vector.extract_strided_slice %max3A_65 {offsets = [0, 256], sizes = [3136, 128], strides = [1, 1]} : vector<3136x512xf32> to vector<3136x128xf32>
    %reshape3A_85 = vector.shape_cast %slice3A_84 : vector<3136x128xf32> to vector<56x56x128xf32>
    %swap3A_86 = arith.constant 1 : index
    %swap3A_87 = arith.constant 0 : index
    %swap3A_88 = arith.constant 1 : index
    %swap3A_89 = arith.constant 1 : index
    %swap3A_90 = arith.constant 0 : index
    %swap3A_91 = vector.load %arg11[%swap3A_86, %swap3A_87, %swap3A_88, %swap3A_89, %swap3A_90] : memref<2x2x58x64x128xf32, #tpu.memory_space<vmem>>, vector<1x1x56x56x128xf32>
    %swap3A_92 = vector.shape_cast %swap3A_91 : vector<1x1x56x56x128xf32> to vector<56x56x128xf32>
    %swap3A_93 = vector.shape_cast %reshape3A_85 : vector<56x56x128xf32> to vector<1x1x56x56x128xf32>
    tpu.vector_store %arg11[%swap3A_86, %swap3A_87, %swap3A_88, %swap3A_89, %swap3A_90], %swap3A_93 {strides = array<i32>} : memref<2x2x58x64x128xf32, #tpu.memory_space<vmem>>, vector<1x1x56x56x128xf32>,
    %slice3A_94 = vector.extract_strided_slice %max3A_65 {offsets = [0, 384], sizes = [3136, 128], strides = [1, 1]} : vector<3136x512xf32> to vector<3136x128xf32>
    %reshape3A_95 = vector.shape_cast %slice3A_94 : vector<3136x128xf32> to vector<56x56x128xf32>
    %swap3A_96 = arith.constant 1 : index
    %swap3A_97 = arith.constant 1 : index
    %swap3A_98 = arith.constant 1 : index
    %swap3A_99 = arith.constant 1 : index
    %swap3A_100 = arith.constant 0 : index
    %swap3A_101 = vector.load %arg11[%swap3A_96, %swap3A_97, %swap3A_98, %swap3A_99, %swap3A_100] : memref<2x2x58x64x128xf32, #tpu.memory_space<vmem>>, vector<1x1x56x56x128xf32>
    %swap3A_102 = vector.shape_cast %swap3A_101 : vector<1x1x56x56x128xf32> to vector<56x56x128xf32>
    %swap3A_103 = vector.shape_cast %reshape3A_95 : vector<56x56x128xf32> to vector<1x1x56x56x128xf32>
    tpu.vector_store %arg11[%swap3A_96, %swap3A_97, %swap3A_98, %swap3A_99, %swap3A_100], %swap3A_103 {strides = array<i32>} : memref<2x2x58x64x128xf32, #tpu.memory_space<vmem>>, vector<1x1x56x56x128xf32>,
    %broadcast_in_dim3A_104 = arith.constant 0.000000e+00 : f32
    %broadcast_in_dim3A_105 = vector.broadcast %broadcast_in_dim3A_104 : f32 to vector<3136x128xf32>
    %get3A_106 = arith.constant 1 : index
    %get3A_107 = arith.constant 1 : index
    %get3A_108 = arith.constant 0 : index
    %get3A_109 = arith.constant 0 : index
    %get3A_110 = arith.constant 0 : index
    %get3A_111 = vector.load %arg11[%get3A_106, %get3A_107, %get3A_108, %get3A_109, %get3A_110] : memref<2x2x58x64x128xf32, #tpu.memory_space<vmem>>, vector<1x1x56x56x128xf32>
    %get3A_112 = vector.shape_cast %get3A_111 : vector<1x1x56x56x128xf32> to vector<56x56x128xf32>
    %reshape3A_113 = vector.shape_cast %get3A_112 : vector<56x56x128xf32> to vector<3136x128xf32>
    %get3A_114 = arith.constant 0 : index
    %get3A_115 = arith.constant 0 : index
    %get3A_116 = arith.constant 0 : index
    %get3A_117 = vector.load %arg4[%get3A_114, %get3A_115, %get3A_116] : memref<16x128x128xf32, #tpu.memory_space<vmem>>, vector<1x128x128xf32>
    %get3A_118 = vector.shape_cast %get3A_117 : vector<1x128x128xf32> to vector<128x128xf32>
    %dot_general3A_119 = arith.constant dense<0.000000e+00> : vector<3136x128xf32>
    %dot_general3A_120 = tpu.matmul %reshape3A_113, %get3A_118, %dot_general3A_119 {dimension_numbers = #tpu.dot_dimension_numbers<[1], [0], [0], [1], [0, 0, 1, 1], [], []>, transpose_lhs_hint = false} : vector<3136x128xf32>, vector<128x128xf32>, vector<3136x128xf32> -> vector<3136x128xf32>
    %add3A_121 = arith.addf %broadcast_in_dim3A_105, %dot_general3A_120 : vector<3136x128xf32>
    %get3A_122 = arith.constant 1 : index
    %get3A_123 = arith.constant 1 : index
    %get3A_124 = arith.constant 0 : index
    %get3A_125 = arith.constant 1 : index
    %get3A_126 = arith.constant 0 : index
    %get3A_127 = vector.load %arg11[%get3A_122, %get3A_123, %get3A_124, %get3A_125, %get3A_126] : memref<2x2x58x64x128xf32, #tpu.memory_space<vmem>>, vector<1x1x56x56x128xf32>
    %get3A_128 = vector.shape_cast %get3A_127 : vector<1x1x56x56x128xf32> to vector<56x56x128xf32>
    %reshape3A_129 = vector.shape_cast %get3A_128 : vector<56x56x128xf32> to vector<3136x128xf32>
    %get3A_130 = arith.constant 1 : index
    %get3A_131 = arith.constant 0 : index
    %get3A_132 = arith.constant 0 : index
    %get3A_133 = vector.load %arg4[%get3A_130, %get3A_131, %get3A_132] : memref<16x128x128xf32, #tpu.memory_space<vmem>>, vector<1x128x128xf32>
    %get3A_134 = vector.shape_cast %get3A_133 : vector<1x128x128xf32> to vector<128x128xf32>
    %dot_general3A_135 = arith.constant dense<0.000000e+00> : vector<3136x128xf32>
    %dot_general3A_136 = tpu.matmul %reshape3A_129, %get3A_134, %dot_general3A_135 {dimension_numbers = #tpu.dot_dimension_numbers<[1], [0], [0], [1], [0, 0, 1, 1], [], []>, transpose_lhs_hint = false} : vector<3136x128xf32>, vector<128x128xf32>, vector<3136x128xf32> -> vector<3136x128xf32>
    %add3A_137 = arith.addf %add3A_121, %dot_general3A_136 : vector<3136x128xf32>
    %get3A_138 = arith.constant 1 : index
    %get3A_139 = arith.constant 1 : index
    %get3A_140 = arith.constant 1 : index
    %get3A_141 = arith.constant 0 : index
    %get3A_142 = arith.constant 0 : index
    %get3A_143 = vector.load %arg11[%get3A_138, %get3A_139, %get3A_140, %get3A_141, %get3A_142] : memref<2x2x58x64x128xf32, #tpu.memory_space<vmem>>, vector<1x1x56x56x128xf32>
    %get3A_144 = vector.shape_cast %get3A_143 : vector<1x1x56x56x128xf32> to vector<56x56x128xf32>
    %reshape3A_145 = vector.shape_cast %get3A_144 : vector<56x56x128xf32> to vector<3136x128xf32>
    %get3A_146 = arith.constant 2 : index
    %get3A_147 = arith.constant 0 : index
    %get3A_148 = arith.constant 0 : index
    %get3A_149 = vector.load %arg4[%get3A_146, %get3A_147, %get3A_148] : memref<16x128x128xf32, #tpu.memory_space<vmem>>, vector<1x128x128xf32>
    %get3A_150 = vector.shape_cast %get3A_149 : vector<1x128x128xf32> to vector<128x128xf32>
    %dot_general3A_151 = arith.constant dense<0.000000e+00> : vector<3136x128xf32>
    %dot_general3A_152 = tpu.matmul %reshape3A_145, %get3A_150, %dot_general3A_151 {dimension_numbers = #tpu.dot_dimension_numbers<[1], [0], [0], [1], [0, 0, 1, 1], [], []>, transpose_lhs_hint = false} : vector<3136x128xf32>, vector<128x128xf32>, vector<3136x128xf32> -> vector<3136x128xf32>
    %add3A_153 = arith.addf %add3A_137, %dot_general3A_152 : vector<3136x128xf32>
    %get3A_154 = arith.constant 1 : index
    %get3A_155 = arith.constant 1 : index
    %get3A_156 = arith.constant 1 : index
    %get3A_157 = arith.constant 1 : index
    %get3A_158 = arith.constant 0 : index
    %get3A_159 = vector.load %arg11[%get3A_154, %get3A_155, %get3A_156, %get3A_157, %get3A_158] : memref<2x2x58x64x128xf32, #tpu.memory_space<vmem>>, vector<1x1x56x56x128xf32>
    %get3A_160 = vector.shape_cast %get3A_159 : vector<1x1x56x56x128xf32> to vector<56x56x128xf32>
    %reshape3A_161 = vector.shape_cast %get3A_160 : vector<56x56x128xf32> to vector<3136x128xf32>
    %get3A_162 = arith.constant 3 : index
    %get3A_163 = arith.constant 0 : index
    %get3A_164 = arith.constant 0 : index
    %get3A_165 = vector.load %arg4[%get3A_162, %get3A_163, %get3A_164] : memref<16x128x128xf32, #tpu.memory_space<vmem>>, vector<1x128x128xf32>
    %get3A_166 = vector.shape_cast %get3A_165 : vector<1x128x128xf32> to vector<128x128xf32>
    %dot_general3A_167 = arith.constant dense<0.000000e+00> : vector<3136x128xf32>
    %dot_general3A_168 = tpu.matmul %reshape3A_161, %get3A_166, %dot_general3A_167 {dimension_numbers = #tpu.dot_dimension_numbers<[1], [0], [0], [1], [0, 0, 1, 1], [], []>, transpose_lhs_hint = false} : vector<3136x128xf32>, vector<128x128xf32>, vector<3136x128xf32> -> vector<3136x128xf32>
    %add3A_169 = arith.addf %add3A_153, %dot_general3A_168 : vector<3136x128xf32>
    %get3A_170 = arith.constant 1 : index
    %get3A_171 = arith.constant 0 : index
    %get3A_172 = arith.constant 0 : index
    %get3A_173 = arith.constant 1 : index
    %get3A_174 = arith.constant 0 : index
    %get3A_175 = vector.load %arg11[%get3A_170, %get3A_171, %get3A_172, %get3A_173, %get3A_174] : memref<2x2x58x64x128xf32, #tpu.memory_space<vmem>>, vector<1x1x56x56x128xf32>
    %get3A_176 = vector.shape_cast %get3A_175 : vector<1x1x56x56x128xf32> to vector<56x56x128xf32>
    %reshape3A_177 = vector.shape_cast %get3A_176 : vector<56x56x128xf32> to vector<3136x128xf32>
    %get3A_178 = arith.constant 4 : index
    %get3A_179 = arith.constant 0 : index
    %get3A_180 = arith.constant 0 : index
    %get3A_181 = vector.load %arg4[%get3A_178, %get3A_179, %get3A_180] : memref<16x128x128xf32, #tpu.memory_space<vmem>>, vector<1x128x128xf32>
    %get3A_182 = vector.shape_cast %get3A_181 : vector<1x128x128xf32> to vector<128x128xf32>
    %dot_general3A_183 = arith.constant dense<0.000000e+00> : vector<3136x128xf32>
    %dot_general3A_184 = tpu.matmul %reshape3A_177, %get3A_182, %dot_general3A_183 {dimension_numbers = #tpu.dot_dimension_numbers<[1], [0], [0], [1], [0, 0, 1, 1], [], []>, transpose_lhs_hint = false} : vector<3136x128xf32>, vector<128x128xf32>, vector<3136x128xf32> -> vector<3136x128xf32>
    %add3A_185 = arith.addf %add3A_169, %dot_general3A_184 : vector<3136x128xf32>
    %get3A_186 = arith.constant 1 : index
    %get3A_187 = arith.constant 0 : index
    %get3A_188 = arith.constant 0 : index
    %get3A_189 = arith.constant 2 : index
    %get3A_190 = arith.constant 0 : index
    %get3A_191 = vector.load %arg11[%get3A_186, %get3A_187, %get3A_188, %get3A_189, %get3A_190] : memref<2x2x58x64x128xf32, #tpu.memory_space<vmem>>, vector<1x1x56x56x128xf32>
    %get3A_192 = vector.shape_cast %get3A_191 : vector<1x1x56x56x128xf32> to vector<56x56x128xf32>
    %reshape3A_193 = vector.shape_cast %get3A_192 : vector<56x56x128xf32> to vector<3136x128xf32>
    %get3A_194 = arith.constant 5 : index
    %get3A_195 = arith.constant 0 : index
    %get3A_196 = arith.constant 0 : index
    %get3A_197 = vector.load %arg4[%get3A_194, %get3A_195, %get3A_196] : memref<16x128x128xf32, #tpu.memory_space<vmem>>, vector<1x128x128xf32>
    %get3A_198 = vector.shape_cast %get3A_197 : vector<1x128x128xf32> to vector<128x128xf32>
    %dot_general3A_199 = arith.constant dense<0.000000e+00> : vector<3136x128xf32>
    %dot_general3A_200 = tpu.matmul %reshape3A_193, %get3A_198, %dot_general3A_199 {dimension_numbers = #tpu.dot_dimension_numbers<[1], [0], [0], [1], [0, 0, 1, 1], [], []>, transpose_lhs_hint = false} : vector<3136x128xf32>, vector<128x128xf32>, vector<3136x128xf32> -> vector<3136x128xf32>
    %add3A_201 = arith.addf %add3A_185, %dot_general3A_200 : vector<3136x128xf32>
    %get3A_202 = arith.constant 1 : index
    %get3A_203 = arith.constant 0 : index
    %get3A_204 = arith.constant 1 : index
    %get3A_205 = arith.constant 1 : index
    %get3A_206 = arith.constant 0 : index
    %get3A_207 = vector.load %arg11[%get3A_202, %get3A_203, %get3A_204, %get3A_205, %get3A_206] : memref<2x2x58x64x128xf32, #tpu.memory_space<vmem>>, vector<1x1x56x56x128xf32>
    %get3A_208 = vector.shape_cast %get3A_207 : vector<1x1x56x56x128xf32> to vector<56x56x128xf32>
    %reshape3A_209 = vector.shape_cast %get3A_208 : vector<56x56x128xf32> to vector<3136x128xf32>
    %get3A_210 = arith.constant 6 : index
    %get3A_211 = arith.constant 0 : index
    %get3A_212 = arith.constant 0 : index
    %get3A_213 = vector.load %arg4[%get3A_210, %get3A_211, %get3A_212] : memref<16x128x128xf32, #tpu.memory_space<vmem>>, vector<1x128x128xf32>
    %get3A_214 = vector.shape_cast %get3A_213 : vector<1x128x128xf32> to vector<128x128xf32>
    %dot_general3A_215 = arith.constant dense<0.000000e+00> : vector<3136x128xf32>
    %dot_general3A_216 = tpu.matmul %reshape3A_209, %get3A_214, %dot_general3A_215 {dimension_numbers = #tpu.dot_dimension_numbers<[1], [0], [0], [1], [0, 0, 1, 1], [], []>, transpose_lhs_hint = false} : vector<3136x128xf32>, vector<128x128xf32>, vector<3136x128xf32> -> vector<3136x128xf32>
    %add3A_217 = arith.addf %add3A_201, %dot_general3A_216 : vector<3136x128xf32>
    %get3A_218 = arith.constant 1 : index
    %get3A_219 = arith.constant 0 : index
    %get3A_220 = arith.constant 1 : index
    %get3A_221 = arith.constant 2 : index
    %get3A_222 = arith.constant 0 : index
    %get3A_223 = vector.load %arg11[%get3A_218, %get3A_219, %get3A_220, %get3A_221, %get3A_222] : memref<2x2x58x64x128xf32, #tpu.memory_space<vmem>>, vector<1x1x56x56x128xf32>
    %get3A_224 = vector.shape_cast %get3A_223 : vector<1x1x56x56x128xf32> to vector<56x56x128xf32>
    %reshape3A_225 = vector.shape_cast %get3A_224 : vector<56x56x128xf32> to vector<3136x128xf32>
    %get3A_226 = arith.constant 7 : index
    %get3A_227 = arith.constant 0 : index
    %get3A_228 = arith.constant 0 : index
    %get3A_229 = vector.load %arg4[%get3A_226, %get3A_227, %get3A_228] : memref<16x128x128xf32, #tpu.memory_space<vmem>>, vector<1x128x128xf32>
    %get3A_230 = vector.shape_cast %get3A_229 : vector<1x128x128xf32> to vector<128x128xf32>
    %dot_general3A_231 = arith.constant dense<0.000000e+00> : vector<3136x128xf32>
    %dot_general3A_232 = tpu.matmul %reshape3A_225, %get3A_230, %dot_general3A_231 {dimension_numbers = #tpu.dot_dimension_numbers<[1], [0], [0], [1], [0, 0, 1, 1], [], []>, transpose_lhs_hint = false} : vector<3136x128xf32>, vector<128x128xf32>, vector<3136x128xf32> -> vector<3136x128xf32>
    %add3A_233 = arith.addf %add3A_217, %dot_general3A_232 : vector<3136x128xf32>
    %get3A_234 = arith.constant 0 : index
    %get3A_235 = arith.constant 1 : index
    %get3A_236 = arith.constant 1 : index
    %get3A_237 = arith.constant 0 : index
    %get3A_238 = arith.constant 0 : index
    %get3A_239 = vector.load %arg11[%get3A_234, %get3A_235, %get3A_236, %get3A_237, %get3A_238] : memref<2x2x58x64x128xf32, #tpu.memory_space<vmem>>, vector<1x1x56x56x128xf32>
    %get3A_240 = vector.shape_cast %get3A_239 : vector<1x1x56x56x128xf32> to vector<56x56x128xf32>
    %reshape3A_241 = vector.shape_cast %get3A_240 : vector<56x56x128xf32> to vector<3136x128xf32>
    %get3A_242 = arith.constant 8 : index
    %get3A_243 = arith.constant 0 : index
    %get3A_244 = arith.constant 0 : index
    %get3A_245 = vector.load %arg4[%get3A_242, %get3A_243, %get3A_244] : memref<16x128x128xf32, #tpu.memory_space<vmem>>, vector<1x128x128xf32>
    %get3A_246 = vector.shape_cast %get3A_245 : vector<1x128x128xf32> to vector<128x128xf32>
    %dot_general3A_247 = arith.constant dense<0.000000e+00> : vector<3136x128xf32>
    %dot_general3A_248 = tpu.matmul %reshape3A_241, %get3A_246, %dot_general3A_247 {dimension_numbers = #tpu.dot_dimension_numbers<[1], [0], [0], [1], [0, 0, 1, 1], [], []>, transpose_lhs_hint = false} : vector<3136x128xf32>, vector<128x128xf32>, vector<3136x128xf32> -> vector<3136x128xf32>
    %add3A_249 = arith.addf %add3A_233, %dot_general3A_248 : vector<3136x128xf32>
    %get3A_250 = arith.constant 0 : index
    %get3A_251 = arith.constant 1 : index
    %get3A_252 = arith.constant 1 : index
    %get3A_253 = arith.constant 1 : index
    %get3A_254 = arith.constant 0 : index
    %get3A_255 = vector.load %arg11[%get3A_250, %get3A_251, %get3A_252, %get3A_253, %get3A_254] : memref<2x2x58x64x128xf32, #tpu.memory_space<vmem>>, vector<1x1x56x56x128xf32>
    %get3A_256 = vector.shape_cast %get3A_255 : vector<1x1x56x56x128xf32> to vector<56x56x128xf32>
    %reshape3A_257 = vector.shape_cast %get3A_256 : vector<56x56x128xf32> to vector<3136x128xf32>
    %get3A_258 = arith.constant 9 : index
    %get3A_259 = arith.constant 0 : index
    %get3A_260 = arith.constant 0 : index
    %get3A_261 = vector.load %arg4[%get3A_258, %get3A_259, %get3A_260] : memref<16x128x128xf32, #tpu.memory_space<vmem>>, vector<1x128x128xf32>
    %get3A_262 = vector.shape_cast %get3A_261 : vector<1x128x128xf32> to vector<128x128xf32>
    %dot_general3A_263 = arith.constant dense<0.000000e+00> : vector<3136x128xf32>
    %dot_general3A_264 = tpu.matmul %reshape3A_257, %get3A_262, %dot_general3A_263 {dimension_numbers = #tpu.dot_dimension_numbers<[1], [0], [0], [1], [0, 0, 1, 1], [], []>, transpose_lhs_hint = false} : vector<3136x128xf32>, vector<128x128xf32>, vector<3136x128xf32> -> vector<3136x128xf32>
    %add3A_265 = arith.addf %add3A_249, %dot_general3A_264 : vector<3136x128xf32>
    %get3A_266 = arith.constant 0 : index
    %get3A_267 = arith.constant 1 : index
    %get3A_268 = arith.constant 2 : index
    %get3A_269 = arith.constant 0 : index
    %get3A_270 = arith.constant 0 : index
    %get3A_271 = vector.load %arg11[%get3A_266, %get3A_267, %get3A_268, %get3A_269, %get3A_270] : memref<2x2x58x64x128xf32, #tpu.memory_space<vmem>>, vector<1x1x56x56x128xf32>
    %get3A_272 = vector.shape_cast %get3A_271 : vector<1x1x56x56x128xf32> to vector<56x56x128xf32>
    %reshape3A_273 = vector.shape_cast %get3A_272 : vector<56x56x128xf32> to vector<3136x128xf32>
    %get3A_274 = arith.constant 10 : index
    %get3A_275 = arith.constant 0 : index
    %get3A_276 = arith.constant 0 : index
    %get3A_277 = vector.load %arg4[%get3A_274, %get3A_275, %get3A_276] : memref<16x128x128xf32, #tpu.memory_space<vmem>>, vector<1x128x128xf32>
    %get3A_278 = vector.shape_cast %get3A_277 : vector<1x128x128xf32> to vector<128x128xf32>
    %dot_general3A_279 = arith.constant dense<0.000000e+00> : vector<3136x128xf32>
    %dot_general3A_280 = tpu.matmul %reshape3A_273, %get3A_278, %dot_general3A_279 {dimension_numbers = #tpu.dot_dimension_numbers<[1], [0], [0], [1], [0, 0, 1, 1], [], []>, transpose_lhs_hint = false} : vector<3136x128xf32>, vector<128x128xf32>, vector<3136x128xf32> -> vector<3136x128xf32>
    %add3A_281 = arith.addf %add3A_265, %dot_general3A_280 : vector<3136x128xf32>
    %get3A_282 = arith.constant 0 : index
    %get3A_283 = arith.constant 1 : index
    %get3A_284 = arith.constant 2 : index
    %get3A_285 = arith.constant 1 : index
    %get3A_286 = arith.constant 0 : index
    %get3A_287 = vector.load %arg11[%get3A_282, %get3A_283, %get3A_284, %get3A_285, %get3A_286] : memref<2x2x58x64x128xf32, #tpu.memory_space<vmem>>, vector<1x1x56x56x128xf32>
    %get3A_288 = vector.shape_cast %get3A_287 : vector<1x1x56x56x128xf32> to vector<56x56x128xf32>
    %reshape3A_289 = vector.shape_cast %get3A_288 : vector<56x56x128xf32> to vector<3136x128xf32>
    %get3A_290 = arith.constant 11 : index
    %get3A_291 = arith.constant 0 : index
    %get3A_292 = arith.constant 0 : index
    %get3A_293 = vector.load %arg4[%get3A_290, %get3A_291, %get3A_292] : memref<16x128x128xf32, #tpu.memory_space<vmem>>, vector<1x128x128xf32>
    %get3A_294 = vector.shape_cast %get3A_293 : vector<1x128x128xf32> to vector<128x128xf32>
    %dot_general3A_295 = arith.constant dense<0.000000e+00> : vector<3136x128xf32>
    %dot_general3A_296 = tpu.matmul %reshape3A_289, %get3A_294, %dot_general3A_295 {dimension_numbers = #tpu.dot_dimension_numbers<[1], [0], [0], [1], [0, 0, 1, 1], [], []>, transpose_lhs_hint = false} : vector<3136x128xf32>, vector<128x128xf32>, vector<3136x128xf32> -> vector<3136x128xf32>
    %add3A_297 = arith.addf %add3A_281, %dot_general3A_296 : vector<3136x128xf32>
    %get3A_298 = arith.constant 0 : index
    %get3A_299 = arith.constant 0 : index
    %get3A_300 = arith.constant 1 : index
    %get3A_301 = arith.constant 1 : index
    %get3A_302 = arith.constant 0 : index
    %get3A_303 = vector.load %arg11[%get3A_298, %get3A_299, %get3A_300, %get3A_301, %get3A_302] : memref<2x2x58x64x128xf32, #tpu.memory_space<vmem>>, vector<1x1x56x56x128xf32>
    %get3A_304 = vector.shape_cast %get3A_303 : vector<1x1x56x56x128xf32> to vector<56x56x128xf32>
    %reshape3A_305 = vector.shape_cast %get3A_304 : vector<56x56x128xf32> to vector<3136x128xf32>
    %get3A_306 = arith.constant 12 : index
    %get3A_307 = arith.constant 0 : index
    %get3A_308 = arith.constant 0 : index
    %get3A_309 = vector.load %arg4[%get3A_306, %get3A_307, %get3A_308] : memref<16x128x128xf32, #tpu.memory_space<vmem>>, vector<1x128x128xf32>
    %get3A_310 = vector.shape_cast %get3A_309 : vector<1x128x128xf32> to vector<128x128xf32>
    %dot_general3A_311 = arith.constant dense<0.000000e+00> : vector<3136x128xf32>
    %dot_general3A_312 = tpu.matmul %reshape3A_305, %get3A_310, %dot_general3A_311 {dimension_numbers = #tpu.dot_dimension_numbers<[1], [0], [0], [1], [0, 0, 1, 1], [], []>, transpose_lhs_hint = false} : vector<3136x128xf32>, vector<128x128xf32>, vector<3136x128xf32> -> vector<3136x128xf32>
    %add3A_313 = arith.addf %add3A_297, %dot_general3A_312 : vector<3136x128xf32>
    %get3A_314 = arith.constant 0 : index
    %get3A_315 = arith.constant 0 : index
    %get3A_316 = arith.constant 1 : index
    %get3A_317 = arith.constant 2 : index
    %get3A_318 = arith.constant 0 : index
    %get3A_319 = vector.load %arg11[%get3A_314, %get3A_315, %get3A_316, %get3A_317, %get3A_318] : memref<2x2x58x64x128xf32, #tpu.memory_space<vmem>>, vector<1x1x56x56x128xf32>
    %get3A_320 = vector.shape_cast %get3A_319 : vector<1x1x56x56x128xf32> to vector<56x56x128xf32>
    %reshape3A_321 = vector.shape_cast %get3A_320 : vector<56x56x128xf32> to vector<3136x128xf32>
    %get3A_322 = arith.constant 13 : index
    %get3A_323 = arith.constant 0 : index
    %get3A_324 = arith.constant 0 : index
    %get3A_325 = vector.load %arg4[%get3A_322, %get3A_323, %get3A_324] : memref<16x128x128xf32, #tpu.memory_space<vmem>>, vector<1x128x128xf32>
    %get3A_326 = vector.shape_cast %get3A_325 : vector<1x128x128xf32> to vector<128x128xf32>
    %dot_general3A_327 = arith.constant dense<0.000000e+00> : vector<3136x128xf32>
    %dot_general3A_328 = tpu.matmul %reshape3A_321, %get3A_326, %dot_general3A_327 {dimension_numbers = #tpu.dot_dimension_numbers<[1], [0], [0], [1], [0, 0, 1, 1], [], []>, transpose_lhs_hint = false} : vector<3136x128xf32>, vector<128x128xf32>, vector<3136x128xf32> -> vector<3136x128xf32>
    %add3A_329 = arith.addf %add3A_313, %dot_general3A_328 : vector<3136x128xf32>
    %get3A_330 = arith.constant 0 : index
    %get3A_331 = arith.constant 0 : index
    %get3A_332 = arith.constant 2 : index
    %get3A_333 = arith.constant 1 : index
    %get3A_334 = arith.constant 0 : index
    %get3A_335 = vector.load %arg11[%get3A_330, %get3A_331, %get3A_332, %get3A_333, %get3A_334] : memref<2x2x58x64x128xf32, #tpu.memory_space<vmem>>, vector<1x1x56x56x128xf32>
    %get3A_336 = vector.shape_cast %get3A_335 : vector<1x1x56x56x128xf32> to vector<56x56x128xf32>
    %reshape3A_337 = vector.shape_cast %get3A_336 : vector<56x56x128xf32> to vector<3136x128xf32>
    %get3A_338 = arith.constant 14 : index
    %get3A_339 = arith.constant 0 : index
    %get3A_340 = arith.constant 0 : index
    %get3A_341 = vector.load %arg4[%get3A_338, %get3A_339, %get3A_340] : memref<16x128x128xf32, #tpu.memory_space<vmem>>, vector<1x128x128xf32>
    %get3A_342 = vector.shape_cast %get3A_341 : vector<1x128x128xf32> to vector<128x128xf32>
    %dot_general3A_343 = arith.constant dense<0.000000e+00> : vector<3136x128xf32>
    %dot_general3A_344 = tpu.matmul %reshape3A_337, %get3A_342, %dot_general3A_343 {dimension_numbers = #tpu.dot_dimension_numbers<[1], [0], [0], [1], [0, 0, 1, 1], [], []>, transpose_lhs_hint = false} : vector<3136x128xf32>, vector<128x128xf32>, vector<3136x128xf32> -> vector<3136x128xf32>
    %add3A_345 = arith.addf %add3A_329, %dot_general3A_344 : vector<3136x128xf32>
    %get3A_346 = arith.constant 0 : index
    %get3A_347 = arith.constant 0 : index
    %get3A_348 = arith.constant 2 : index
    %get3A_349 = arith.constant 2 : index
    %get3A_350 = arith.constant 0 : index
    %get3A_351 = vector.load %arg11[%get3A_346, %get3A_347, %get3A_348, %get3A_349, %get3A_350] : memref<2x2x58x64x128xf32, #tpu.memory_space<vmem>>, vector<1x1x56x56x128xf32>
    %get3A_352 = vector.shape_cast %get3A_351 : vector<1x1x56x56x128xf32> to vector<56x56x128xf32>
    %reshape3A_353 = vector.shape_cast %get3A_352 : vector<56x56x128xf32> to vector<3136x128xf32>
    %get3A_354 = arith.constant 15 : index
    %get3A_355 = arith.constant 0 : index
    %get3A_356 = arith.constant 0 : index
    %get3A_357 = vector.load %arg4[%get3A_354, %get3A_355, %get3A_356] : memref<16x128x128xf32, #tpu.memory_space<vmem>>, vector<1x128x128xf32>
    %get3A_358 = vector.shape_cast %get3A_357 : vector<1x128x128xf32> to vector<128x128xf32>
    %dot_general3A_359 = arith.constant dense<0.000000e+00> : vector<3136x128xf32>
    %dot_general3A_360 = tpu.matmul %reshape3A_353, %get3A_358, %dot_general3A_359 {dimension_numbers = #tpu.dot_dimension_numbers<[1], [0], [0], [1], [0, 0, 1, 1], [], []>, transpose_lhs_hint = false} : vector<3136x128xf32>, vector<128x128xf32>, vector<3136x128xf32> -> vector<3136x128xf32>
    %add3A_361 = arith.addf %add3A_345, %dot_general3A_360 : vector<3136x128xf32>
    %get3A_362 = arith.constant 0 : index
    %get3A_363 = arith.constant 0 : index
    %get3A_364 = vector.load %arg5[%get3A_362, %get3A_363] : memref<1x128xf32, #tpu.memory_space<vmem>>, vector<1x128xf32>
    %add3A_365 = vector.broadcast %get3A_364 : vector<1x128xf32> to vector<3136x128xf32>
    %add3A_366 = arith.addf %add3A_361, %add3A_365 : vector<3136x128xf32>
    %max3A_367 = arith.constant 0.000000e+00 : f32
    %max3A_368 = vector.broadcast %max3A_367 : f32 to vector<3136x128xf32>
    %max3A_369 = arith.maximumf %add3A_366, %max3A_368 : vector<3136x128xf32>
    %reshape3A_370 = vector.shape_cast %max3A_369 : vector<3136x128xf32> to vector<56x56x128xf32>
    %swap3A_371 = arith.constant 1 : index
    %swap3A_372 = arith.constant 1 : index
    %swap3A_373 = arith.constant 0 : index
    %swap3A_374 = vector.load %arg12[%swap3A_371, %swap3A_372, %swap3A_373] : memref<58x64x128xf32, #tpu.memory_space<vmem>>, vector<56x56x128xf32>
    tpu.vector_store %arg12[%swap3A_371, %swap3A_372, %swap3A_373], %reshape3A_370 {strides = array<i32>} : memref<58x64x128xf32, #tpu.memory_space<vmem>>, vector<56x56x128xf32>,
    %broadcast_in_dim3A_375 = arith.constant 0.000000e+00 : f32
    %broadcast_in_dim3A_376 = vector.broadcast %broadcast_in_dim3A_375 : f32 to vector<3136x32xf32>
    %get3A_377 = arith.constant 0 : index
    %get3A_378 = arith.constant 0 : index
    %get3A_379 = arith.constant 0 : index
    %get3A_380 = vector.load %arg12[%get3A_377, %get3A_378, %get3A_379] : memref<58x64x128xf32, #tpu.memory_space<vmem>>, vector<56x56x128xf32>
    %reshape3A_381 = vector.shape_cast %get3A_380 : vector<56x56x128xf32> to vector<3136x128xf32>
    %get3A_382 = arith.constant 0 : index
    %get3A_383 = arith.constant 0 : index
    %get3A_384 = arith.constant 0 : index
    %get3A_385 = vector.load %arg6[%get3A_382, %get3A_383, %get3A_384] : memref<9x128x32xf32, #tpu.memory_space<vmem>>, vector<1x128x32xf32>
    %get3A_386 = vector.shape_cast %get3A_385 : vector<1x128x32xf32> to vector<128x32xf32>
    %dot_general3A_387 = arith.constant dense<0.000000e+00> : vector<3136x32xf32>
    %dot_general3A_388 = tpu.matmul %reshape3A_381, %get3A_386, %dot_general3A_387 {dimension_numbers = #tpu.dot_dimension_numbers<[1], [0], [0], [1], [0, 0, 1, 1], [], []>, transpose_lhs_hint = false} : vector<3136x128xf32>, vector<128x32xf32>, vector<3136x32xf32> -> vector<3136x32xf32>
    %add3A_389 = arith.addf %broadcast_in_dim3A_376, %dot_general3A_388 : vector<3136x32xf32>
    %get3A_390 = arith.constant 0 : index
    %get3A_391 = arith.constant 1 : index
    %get3A_392 = arith.constant 0 : index
    %get3A_393 = vector.load %arg12[%get3A_390, %get3A_391, %get3A_392] : memref<58x64x128xf32, #tpu.memory_space<vmem>>, vector<56x56x128xf32>
    %reshape3A_394 = vector.shape_cast %get3A_393 : vector<56x56x128xf32> to vector<3136x128xf32>
    %get3A_395 = arith.constant 1 : index
    %get3A_396 = arith.constant 0 : index
    %get3A_397 = arith.constant 0 : index
    %get3A_398 = vector.load %arg6[%get3A_395, %get3A_396, %get3A_397] : memref<9x128x32xf32, #tpu.memory_space<vmem>>, vector<1x128x32xf32>
    %get3A_399 = vector.shape_cast %get3A_398 : vector<1x128x32xf32> to vector<128x32xf32>
    %dot_general3A_400 = arith.constant dense<0.000000e+00> : vector<3136x32xf32>
    %dot_general3A_401 = tpu.matmul %reshape3A_394, %get3A_399, %dot_general3A_400 {dimension_numbers = #tpu.dot_dimension_numbers<[1], [0], [0], [1], [0, 0, 1, 1], [], []>, transpose_lhs_hint = false} : vector<3136x128xf32>, vector<128x32xf32>, vector<3136x32xf32> -> vector<3136x32xf32>
    %add3A_402 = arith.addf %add3A_389, %dot_general3A_401 : vector<3136x32xf32>
    %get3A_403 = arith.constant 0 : index
    %get3A_404 = arith.constant 2 : index
    %get3A_405 = arith.constant 0 : index
    %get3A_406 = vector.load %arg12[%get3A_403, %get3A_404, %get3A_405] : memref<58x64x128xf32, #tpu.memory_space<vmem>>, vector<56x56x128xf32>
    %reshape3A_407 = vector.shape_cast %get3A_406 : vector<56x56x128xf32> to vector<3136x128xf32>
    %get3A_408 = arith.constant 2 : index
    %get3A_409 = arith.constant 0 : index
    %get3A_410 = arith.constant 0 : index
    %get3A_411 = vector.load %arg6[%get3A_408, %get3A_409, %get3A_410] : memref<9x128x32xf32, #tpu.memory_space<vmem>>, vector<1x128x32xf32>
    %get3A_412 = vector.shape_cast %get3A_411 : vector<1x128x32xf32> to vector<128x32xf32>
    %dot_general3A_413 = arith.constant dense<0.000000e+00> : vector<3136x32xf32>
    %dot_general3A_414 = tpu.matmul %reshape3A_407, %get3A_412, %dot_general3A_413 {dimension_numbers = #tpu.dot_dimension_numbers<[1], [0], [0], [1], [0, 0, 1, 1], [], []>, transpose_lhs_hint = false} : vector<3136x128xf32>, vector<128x32xf32>, vector<3136x32xf32> -> vector<3136x32xf32>
    %add3A_415 = arith.addf %add3A_402, %dot_general3A_414 : vector<3136x32xf32>
    %get3A_416 = arith.constant 1 : index
    %get3A_417 = arith.constant 0 : index
    %get3A_418 = arith.constant 0 : index
    %get3A_419 = vector.load %arg12[%get3A_416, %get3A_417, %get3A_418] : memref<58x64x128xf32, #tpu.memory_space<vmem>>, vector<56x56x128xf32>
    %reshape3A_420 = vector.shape_cast %get3A_419 : vector<56x56x128xf32> to vector<3136x128xf32>
    %get3A_421 = arith.constant 3 : index
    %get3A_422 = arith.constant 0 : index
    %get3A_423 = arith.constant 0 : index
    %get3A_424 = vector.load %arg6[%get3A_421, %get3A_422, %get3A_423] : memref<9x128x32xf32, #tpu.memory_space<vmem>>, vector<1x128x32xf32>
    %get3A_425 = vector.shape_cast %get3A_424 : vector<1x128x32xf32> to vector<128x32xf32>
    %dot_general3A_426 = arith.constant dense<0.000000e+00> : vector<3136x32xf32>
    %dot_general3A_427 = tpu.matmul %reshape3A_420, %get3A_425, %dot_general3A_426 {dimension_numbers = #tpu.dot_dimension_numbers<[1], [0], [0], [1], [0, 0, 1, 1], [], []>, transpose_lhs_hint = false} : vector<3136x128xf32>, vector<128x32xf32>, vector<3136x32xf32> -> vector<3136x32xf32>
    %add3A_428 = arith.addf %add3A_415, %dot_general3A_427 : vector<3136x32xf32>
    %get3A_429 = arith.constant 1 : index
    %get3A_430 = arith.constant 1 : index
    %get3A_431 = arith.constant 0 : index
    %get3A_432 = vector.load %arg12[%get3A_429, %get3A_430, %get3A_431] : memref<58x64x128xf32, #tpu.memory_space<vmem>>, vector<56x56x128xf32>
    %reshape3A_433 = vector.shape_cast %get3A_432 : vector<56x56x128xf32> to vector<3136x128xf32>
    %get3A_434 = arith.constant 4 : index
    %get3A_435 = arith.constant 0 : index
    %get3A_436 = arith.constant 0 : index
    %get3A_437 = vector.load %arg6[%get3A_434, %get3A_435, %get3A_436] : memref<9x128x32xf32, #tpu.memory_space<vmem>>, vector<1x128x32xf32>
    %get3A_438 = vector.shape_cast %get3A_437 : vector<1x128x32xf32> to vector<128x32xf32>
    %dot_general3A_439 = arith.constant dense<0.000000e+00> : vector<3136x32xf32>
    %dot_general3A_440 = tpu.matmul %reshape3A_433, %get3A_438, %dot_general3A_439 {dimension_numbers = #tpu.dot_dimension_numbers<[1], [0], [0], [1], [0, 0, 1, 1], [], []>, transpose_lhs_hint = false} : vector<3136x128xf32>, vector<128x32xf32>, vector<3136x32xf32> -> vector<3136x32xf32>
    %add3A_441 = arith.addf %add3A_428, %dot_general3A_440 : vector<3136x32xf32>
    %get3A_442 = arith.constant 1 : index
    %get3A_443 = arith.constant 2 : index
    %get3A_444 = arith.constant 0 : index
    %get3A_445 = vector.load %arg12[%get3A_442, %get3A_443, %get3A_444] : memref<58x64x128xf32, #tpu.memory_space<vmem>>, vector<56x56x128xf32>
    %reshape3A_446 = vector.shape_cast %get3A_445 : vector<56x56x128xf32> to vector<3136x128xf32>
    %get3A_447 = arith.constant 5 : index
    %get3A_448 = arith.constant 0 : index
    %get3A_449 = arith.constant 0 : index
    %get3A_450 = vector.load %arg6[%get3A_447, %get3A_448, %get3A_449] : memref<9x128x32xf32, #tpu.memory_space<vmem>>, vector<1x128x32xf32>
    %get3A_451 = vector.shape_cast %get3A_450 : vector<1x128x32xf32> to vector<128x32xf32>
    %dot_general3A_452 = arith.constant dense<0.000000e+00> : vector<3136x32xf32>
    %dot_general3A_453 = tpu.matmul %reshape3A_446, %get3A_451, %dot_general3A_452 {dimension_numbers = #tpu.dot_dimension_numbers<[1], [0], [0], [1], [0, 0, 1, 1], [], []>, transpose_lhs_hint = false} : vector<3136x128xf32>, vector<128x32xf32>, vector<3136x32xf32> -> vector<3136x32xf32>
    %add3A_454 = arith.addf %add3A_441, %dot_general3A_453 : vector<3136x32xf32>
    %get3A_455 = arith.constant 2 : index
    %get3A_456 = arith.constant 0 : index
    %get3A_457 = arith.constant 0 : index
    %get3A_458 = vector.load %arg12[%get3A_455, %get3A_456, %get3A_457] : memref<58x64x128xf32, #tpu.memory_space<vmem>>, vector<56x56x128xf32>
    %reshape3A_459 = vector.shape_cast %get3A_458 : vector<56x56x128xf32> to vector<3136x128xf32>
    %get3A_460 = arith.constant 6 : index
    %get3A_461 = arith.constant 0 : index
    %get3A_462 = arith.constant 0 : index
    %get3A_463 = vector.load %arg6[%get3A_460, %get3A_461, %get3A_462] : memref<9x128x32xf32, #tpu.memory_space<vmem>>, vector<1x128x32xf32>
    %get3A_464 = vector.shape_cast %get3A_463 : vector<1x128x32xf32> to vector<128x32xf32>
    %dot_general3A_465 = arith.constant dense<0.000000e+00> : vector<3136x32xf32>
    %dot_general3A_466 = tpu.matmul %reshape3A_459, %get3A_464, %dot_general3A_465 {dimension_numbers = #tpu.dot_dimension_numbers<[1], [0], [0], [1], [0, 0, 1, 1], [], []>, transpose_lhs_hint = false} : vector<3136x128xf32>, vector<128x32xf32>, vector<3136x32xf32> -> vector<3136x32xf32>
    %add3A_467 = arith.addf %add3A_454, %dot_general3A_466 : vector<3136x32xf32>
    %get3A_468 = arith.constant 2 : index
    %get3A_469 = arith.constant 1 : index
    %get3A_470 = arith.constant 0 : index
    %get3A_471 = vector.load %arg12[%get3A_468, %get3A_469, %get3A_470] : memref<58x64x128xf32, #tpu.memory_space<vmem>>, vector<56x56x128xf32>
    %reshape3A_472 = vector.shape_cast %get3A_471 : vector<56x56x128xf32> to vector<3136x128xf32>
    %get3A_473 = arith.constant 7 : index
    %get3A_474 = arith.constant 0 : index
    %get3A_475 = arith.constant 0 : index
    %get3A_476 = vector.load %arg6[%get3A_473, %get3A_474, %get3A_475] : memref<9x128x32xf32, #tpu.memory_space<vmem>>, vector<1x128x32xf32>
    %get3A_477 = vector.shape_cast %get3A_476 : vector<1x128x32xf32> to vector<128x32xf32>
    %dot_general3A_478 = arith.constant dense<0.000000e+00> : vector<3136x32xf32>
    %dot_general3A_479 = tpu.matmul %reshape3A_472, %get3A_477, %dot_general3A_478 {dimension_numbers = #tpu.dot_dimension_numbers<[1], [0], [0], [1], [0, 0, 1, 1], [], []>, transpose_lhs_hint = false} : vector<3136x128xf32>, vector<128x32xf32>, vector<3136x32xf32> -> vector<3136x32xf32>
    %add3A_480 = arith.addf %add3A_467, %dot_general3A_479 : vector<3136x32xf32>
    %get3A_481 = arith.constant 2 : index
    %get3A_482 = arith.constant 2 : index
    %get3A_483 = arith.constant 0 : index
    %get3A_484 = vector.load %arg12[%get3A_481, %get3A_482, %get3A_483] : memref<58x64x128xf32, #tpu.memory_space<vmem>>, vector<56x56x128xf32>
    %reshape3A_485 = vector.shape_cast %get3A_484 : vector<56x56x128xf32> to vector<3136x128xf32>
    %get3A_486 = arith.constant 8 : index
    %get3A_487 = arith.constant 0 : index
    %get3A_488 = arith.constant 0 : index
    %get3A_489 = vector.load %arg6[%get3A_486, %get3A_487, %get3A_488] : memref<9x128x32xf32, #tpu.memory_space<vmem>>, vector<1x128x32xf32>
    %get3A_490 = vector.shape_cast %get3A_489 : vector<1x128x32xf32> to vector<128x32xf32>
    %dot_general3A_491 = arith.constant dense<0.000000e+00> : vector<3136x32xf32>
    %dot_general3A_492 = tpu.matmul %reshape3A_485, %get3A_490, %dot_general3A_491 {dimension_numbers = #tpu.dot_dimension_numbers<[1], [0], [0], [1], [0, 0, 1, 1], [], []>, transpose_lhs_hint = false} : vector<3136x128xf32>, vector<128x32xf32>, vector<3136x32xf32> -> vector<3136x32xf32>
    %add3A_493 = arith.addf %add3A_480, %dot_general3A_492 : vector<3136x32xf32>
    %get3A_494 = arith.constant 0 : index
    %get3A_495 = arith.constant 0 : index
    %get3A_496 = vector.load %arg7[%get3A_494, %get3A_495] : memref<1x32xf32, #tpu.memory_space<vmem>>, vector<1x32xf32>
    %add3A_497 = vector.broadcast %get3A_496 : vector<1x32xf32> to vector<3136x32xf32>
    %add3A_498 = arith.addf %add3A_493, %add3A_497 : vector<3136x32xf32>
    %get3A_499 = arith.constant 0 : index
    %get3A_500 = arith.constant 0 : index
    %get3A_501 = vector.load %arg8[%get3A_499, %get3A_500] : memref<32x1024xf32, #tpu.memory_space<vmem>>, vector<32x1024xf32>
    %integer_pow3A = arith.mulf %get3A_501, %get3A_501 : vector<32x1024xf32>
    %reduce_sum3A = arith.constant dense<0.000000e+00> : vector<1024xf32>
    %reduce_sum3A_502 = vector.multi_reduction <add>, %integer_pow3A, %reduce_sum3A [0] : vector<32x1024xf32> to vector<1024xf32>
    %broadcast_in_dim3A_503 = vector.shape_cast %reduce_sum3A_502 : vector<1024xf32> to vector<1x1024xf32>
    %mul3A = arith.mulf %add3A_498, %add3A_498 : vector<3136x32xf32>
    %reduce_sum3A_504 = vector.shape_cast %mul3A : vector<3136x32xf32> to vector<1x3136x32xf32>
    %reduce_sum3A_505 = arith.constant dense<0.000000e+00> : vector<1xf32>
    %reduce_sum3A_506 = vector.multi_reduction <add>, %reduce_sum3A_504, %reduce_sum3A_505 [1, 2] : vector<1x3136x32xf32> to vector<1xf32>
    %reduce_sum3A_507 = vector.shape_cast %reduce_sum3A_506 : vector<1xf32> to vector<1x1x1xf32>
    %reduce_sum3A_508 = vector.extract %reduce_sum3A_507[0, 0, 0] : f32 from vector<1x1x1xf32>
    %reshape3A_509 = vector.broadcast %reduce_sum3A_508 : f32 to vector<1x1xf32>
    %slice3A_510 = vector.extract_strided_slice %add3A_498 {offsets = [0, 0], sizes = [784, 32], strides = [1, 1]} : vector<3136x32xf32> to vector<784x32xf32>
    %get3A_511 = arith.constant 0 : index
    %get3A_512 = arith.constant 0 : index
    %get3A_513 = vector.load %arg8[%get3A_511, %get3A_512] : memref<32x1024xf32, #tpu.memory_space<vmem>>, vector<32x1024xf32>
    %dot_general3A_514 = arith.constant dense<0.000000e+00> : vector<784x1024xf32>
    %dot_general3A_515 = tpu.matmul %slice3A_510, %get3A_513, %dot_general3A_514 {dimension_numbers = #tpu.dot_dimension_numbers<[1], [0], [0], [1], [0, 0, 1, 1], [], []>, transpose_lhs_hint = false} : vector<784x32xf32>, vector<32x1024xf32>, vector<784x1024xf32> -> vector<784x1024xf32>
    %mul3A_516 = arith.constant 2.000000e+00 : f32
    %mul3A_517 = vector.broadcast %mul3A_516 : f32 to vector<784x1024xf32>
    %mul3A_518 = arith.mulf %mul3A_517, %dot_general3A_515 : vector<784x1024xf32>
    %sub3A = vector.broadcast %broadcast_in_dim3A_503 : vector<1x1024xf32> to vector<784x1024xf32>
    %sub3A_519 = arith.subf %sub3A, %mul3A_518 : vector<784x1024xf32>
    %iota3A = tpu.iota {dimensions = array<i32: 1>} : vector<784x1024xi32>
    %reduce_min3A = arith.constant dense<0x7F800000> : vector<784xf32>
    %reduce_min3A_520 = vector.multi_reduction <minimumf>, %sub3A_519, %reduce_min3A [1] : vector<784x1024xf32> to vector<784xf32>
    %broadcast_in_dim3A_521 = vector.shape_cast %reduce_min3A_520 : vector<784xf32> to vector<784x1xf32>
    %eq3A_522 = vector.broadcast %broadcast_in_dim3A_521 : vector<784x1xf32> to vector<784x1024xf32>
    %eq3A_523 = arith.cmpf oeq, %sub3A_519, %eq3A_522 : vector<784x1024xf32>
    %jit3A = arith.constant 1024 : i32
    %broadcast_in_dim3A_524 = vector.broadcast %jit3A : i32 to vector<784x1024xi32>
    %select_n3A = arith.select %eq3A_523, %iota3A, %broadcast_in_dim3A_524 : vector<784x1024xi1>, vector<784x1024xi32>
    %reduce_min3A_525 = arith.constant dense<2147483647> : vector<784xi32>
    %reduce_min3A_526 = vector.multi_reduction <minsi>, %select_n3A, %reduce_min3A_525 [1] : vector<784x1024xi32> to vector<784xi32>
    %broadcast_in_dim3A_527 = vector.shape_cast %reduce_min3A_526 : vector<784xi32> to vector<784x1xi32>
    %reduce_sum3A_528 = vector.shape_cast %broadcast_in_dim3A_521 : vector<784x1xf32> to vector<1x784x1xf32>
    %reduce_sum3A_529 = arith.constant dense<0.000000e+00> : vector<1xf32>
    %reduce_sum3A_530 = vector.multi_reduction <add>, %reduce_sum3A_528, %reduce_sum3A_529 [1, 2] : vector<1x784x1xf32> to vector<1xf32>
    %reduce_sum3A_531 = vector.shape_cast %reduce_sum3A_530 : vector<1xf32> to vector<1x1x1xf32>
    %reduce_sum3A_532 = vector.extract %reduce_sum3A_531[0, 0, 0] : f32 from vector<1x1x1xf32>
    %reshape3A_533 = vector.broadcast %reduce_sum3A_532 : f32 to vector<1x1xf32>
    %add3A_534 = arith.addf %reshape3A_509, %reshape3A_533 : vector<1x1xf32>
    %swap3A_535 = arith.constant 0 : index
    %swap3A_536 = arith.constant 0 : index
    %swap3A_537 = arith.constant 0 : index
    %swap3A_538 = vector.load %arg9[%swap3A_535, %swap3A_536, %swap3A_537] : memref<1x3136x1xi32, #tpu.memory_space<vmem>>, vector<1x784x1xi32>
    %swap3A_539 = vector.shape_cast %swap3A_538 : vector<1x784x1xi32> to vector<784x1xi32>
    %swap3A_540 = vector.shape_cast %broadcast_in_dim3A_527 : vector<784x1xi32> to vector<1x784x1xi32>
    tpu.vector_store %arg9[%swap3A_535, %swap3A_536, %swap3A_537], %swap3A_540 {strides = array<i32>} : memref<1x3136x1xi32, #tpu.memory_space<vmem>>, vector<1x784x1xi32>,
    %slice3A_541 = vector.extract_strided_slice %add3A_498 {offsets = [784, 0], sizes = [784, 32], strides = [1, 1]} : vector<3136x32xf32> to vector<784x32xf32>
    %get3A_542 = arith.constant 0 : index
    %get3A_543 = arith.constant 0 : index
    %get3A_544 = vector.load %arg8[%get3A_542, %get3A_543] : memref<32x1024xf32, #tpu.memory_space<vmem>>, vector<32x1024xf32>
    %dot_general3A_545 = arith.constant dense<0.000000e+00> : vector<784x1024xf32>
    %dot_general3A_546 = tpu.matmul %slice3A_541, %get3A_544, %dot_general3A_545 {dimension_numbers = #tpu.dot_dimension_numbers<[1], [0], [0], [1], [0, 0, 1, 1], [], []>, transpose_lhs_hint = false} : vector<784x32xf32>, vector<32x1024xf32>, vector<784x1024xf32> -> vector<784x1024xf32>
    %mul3A_547 = arith.constant 2.000000e+00 : f32
    %mul3A_548 = vector.broadcast %mul3A_547 : f32 to vector<784x1024xf32>
    %mul3A_549 = arith.mulf %mul3A_548, %dot_general3A_546 : vector<784x1024xf32>
    %sub3A_550 = vector.broadcast %broadcast_in_dim3A_503 : vector<1x1024xf32> to vector<784x1024xf32>
    %sub3A_551 = arith.subf %sub3A_550, %mul3A_549 : vector<784x1024xf32>
    %iota3A_552 = tpu.iota {dimensions = array<i32: 1>} : vector<784x1024xi32>
    %reduce_min3A_553 = arith.constant dense<0x7F800000> : vector<784xf32>
    %reduce_min3A_554 = vector.multi_reduction <minimumf>, %sub3A_551, %reduce_min3A_553 [1] : vector<784x1024xf32> to vector<784xf32>
    %broadcast_in_dim3A_555 = vector.shape_cast %reduce_min3A_554 : vector<784xf32> to vector<784x1xf32>
    %eq3A_556 = vector.broadcast %broadcast_in_dim3A_555 : vector<784x1xf32> to vector<784x1024xf32>
    %eq3A_557 = arith.cmpf oeq, %sub3A_551, %eq3A_556 : vector<784x1024xf32>
    %jit3A_558 = arith.constant 1024 : i32
    %broadcast_in_dim3A_559 = vector.broadcast %jit3A_558 : i32 to vector<784x1024xi32>
    %select_n3A_560 = arith.select %eq3A_557, %iota3A_552, %broadcast_in_dim3A_559 : vector<784x1024xi1>, vector<784x1024xi32>
    %reduce_min3A_561 = arith.constant dense<2147483647> : vector<784xi32>
    %reduce_min3A_562 = vector.multi_reduction <minsi>, %select_n3A_560, %reduce_min3A_561 [1] : vector<784x1024xi32> to vector<784xi32>
    %broadcast_in_dim3A_563 = vector.shape_cast %reduce_min3A_562 : vector<784xi32> to vector<784x1xi32>
    %reduce_sum3A_564 = vector.shape_cast %broadcast_in_dim3A_555 : vector<784x1xf32> to vector<1x784x1xf32>
    %reduce_sum3A_565 = arith.constant dense<0.000000e+00> : vector<1xf32>
    %reduce_sum3A_566 = vector.multi_reduction <add>, %reduce_sum3A_564, %reduce_sum3A_565 [1, 2] : vector<1x784x1xf32> to vector<1xf32>
    %reduce_sum3A_567 = vector.shape_cast %reduce_sum3A_566 : vector<1xf32> to vector<1x1x1xf32>
    %reduce_sum3A_568 = vector.extract %reduce_sum3A_567[0, 0, 0] : f32 from vector<1x1x1xf32>
    %reshape3A_569 = vector.broadcast %reduce_sum3A_568 : f32 to vector<1x1xf32>
    %add3A_570 = arith.addf %add3A_534, %reshape3A_569 : vector<1x1xf32>
    %swap3A_571 = arith.constant 0 : index
    %swap3A_572 = arith.constant 784 : index
    %swap3A_573 = arith.constant 0 : index
    %swap3A_574 = vector.load %arg9[%swap3A_571, %swap3A_572, %swap3A_573] : memref<1x3136x1xi32, #tpu.memory_space<vmem>>, vector<1x784x1xi32>
    %swap3A_575 = vector.shape_cast %swap3A_574 : vector<1x784x1xi32> to vector<784x1xi32>
    %swap3A_576 = vector.shape_cast %broadcast_in_dim3A_563 : vector<784x1xi32> to vector<1x784x1xi32>
    tpu.vector_store %arg9[%swap3A_571, %swap3A_572, %swap3A_573], %swap3A_576 {strides = array<i32>} : memref<1x3136x1xi32, #tpu.memory_space<vmem>>, vector<1x784x1xi32>,
    %slice3A_577 = vector.extract_strided_slice %add3A_498 {offsets = [1568, 0], sizes = [784, 32], strides = [1, 1]} : vector<3136x32xf32> to vector<784x32xf32>
    %get3A_578 = arith.constant 0 : index
    %get3A_579 = arith.constant 0 : index
    %get3A_580 = vector.load %arg8[%get3A_578, %get3A_579] : memref<32x1024xf32, #tpu.memory_space<vmem>>, vector<32x1024xf32>
    %dot_general3A_581 = arith.constant dense<0.000000e+00> : vector<784x1024xf32>
    %dot_general3A_582 = tpu.matmul %slice3A_577, %get3A_580, %dot_general3A_581 {dimension_numbers = #tpu.dot_dimension_numbers<[1], [0], [0], [1], [0, 0, 1, 1], [], []>, transpose_lhs_hint = false} : vector<784x32xf32>, vector<32x1024xf32>, vector<784x1024xf32> -> vector<784x1024xf32>
    %mul3A_583 = arith.constant 2.000000e+00 : f32
    %mul3A_584 = vector.broadcast %mul3A_583 : f32 to vector<784x1024xf32>
    %mul3A_585 = arith.mulf %mul3A_584, %dot_general3A_582 : vector<784x1024xf32>
    %sub3A_586 = vector.broadcast %broadcast_in_dim3A_503 : vector<1x1024xf32> to vector<784x1024xf32>
    %sub3A_587 = arith.subf %sub3A_586, %mul3A_585 : vector<784x1024xf32>
    %iota3A_588 = tpu.iota {dimensions = array<i32: 1>} : vector<784x1024xi32>
    %reduce_min3A_589 = arith.constant dense<0x7F800000> : vector<784xf32>
    %reduce_min3A_590 = vector.multi_reduction <minimumf>, %sub3A_587, %reduce_min3A_589 [1] : vector<784x1024xf32> to vector<784xf32>
    %broadcast_in_dim3A_591 = vector.shape_cast %reduce_min3A_590 : vector<784xf32> to vector<784x1xf32>
    %eq3A_592 = vector.broadcast %broadcast_in_dim3A_591 : vector<784x1xf32> to vector<784x1024xf32>
    %eq3A_593 = arith.cmpf oeq, %sub3A_587, %eq3A_592 : vector<784x1024xf32>
    %jit3A_594 = arith.constant 1024 : i32
    %broadcast_in_dim3A_595 = vector.broadcast %jit3A_594 : i32 to vector<784x1024xi32>
    %select_n3A_596 = arith.select %eq3A_593, %iota3A_588, %broadcast_in_dim3A_595 : vector<784x1024xi1>, vector<784x1024xi32>
    %reduce_min3A_597 = arith.constant dense<2147483647> : vector<784xi32>
    %reduce_min3A_598 = vector.multi_reduction <minsi>, %select_n3A_596, %reduce_min3A_597 [1] : vector<784x1024xi32> to vector<784xi32>
    %broadcast_in_dim3A_599 = vector.shape_cast %reduce_min3A_598 : vector<784xi32> to vector<784x1xi32>
    %reduce_sum3A_600 = vector.shape_cast %broadcast_in_dim3A_591 : vector<784x1xf32> to vector<1x784x1xf32>
    %reduce_sum3A_601 = arith.constant dense<0.000000e+00> : vector<1xf32>
    %reduce_sum3A_602 = vector.multi_reduction <add>, %reduce_sum3A_600, %reduce_sum3A_601 [1, 2] : vector<1x784x1xf32> to vector<1xf32>
    %reduce_sum3A_603 = vector.shape_cast %reduce_sum3A_602 : vector<1xf32> to vector<1x1x1xf32>
    %reduce_sum3A_604 = vector.extract %reduce_sum3A_603[0, 0, 0] : f32 from vector<1x1x1xf32>
    %reshape3A_605 = vector.broadcast %reduce_sum3A_604 : f32 to vector<1x1xf32>
    %add3A_606 = arith.addf %add3A_570, %reshape3A_605 : vector<1x1xf32>
    %swap3A_607 = arith.constant 0 : index
    %swap3A_608 = arith.constant 1568 : index
    %swap3A_609 = arith.constant 0 : index
    %swap3A_610 = vector.load %arg9[%swap3A_607, %swap3A_608, %swap3A_609] : memref<1x3136x1xi32, #tpu.memory_space<vmem>>, vector<1x784x1xi32>
    %swap3A_611 = vector.shape_cast %swap3A_610 : vector<1x784x1xi32> to vector<784x1xi32>
    %swap3A_612 = vector.shape_cast %broadcast_in_dim3A_599 : vector<784x1xi32> to vector<1x784x1xi32>
    tpu.vector_store %arg9[%swap3A_607, %swap3A_608, %swap3A_609], %swap3A_612 {strides = array<i32>} : memref<1x3136x1xi32, #tpu.memory_space<vmem>>, vector<1x784x1xi32>,
    %slice3A_613 = vector.extract_strided_slice %add3A_498 {offsets = [2352, 0], sizes = [784, 32], strides = [1, 1]} : vector<3136x32xf32> to vector<784x32xf32>
    %get3A_614 = arith.constant 0 : index
    %get3A_615 = arith.constant 0 : index
    %get3A_616 = vector.load %arg8[%get3A_614, %get3A_615] : memref<32x1024xf32, #tpu.memory_space<vmem>>, vector<32x1024xf32>
    %dot_general3A_617 = arith.constant dense<0.000000e+00> : vector<784x1024xf32>
    %dot_general3A_618 = tpu.matmul %slice3A_613, %get3A_616, %dot_general3A_617 {dimension_numbers = #tpu.dot_dimension_numbers<[1], [0], [0], [1], [0, 0, 1, 1], [], []>, transpose_lhs_hint = false} : vector<784x32xf32>, vector<32x1024xf32>, vector<784x1024xf32> -> vector<784x1024xf32>
    %mul3A_619 = arith.constant 2.000000e+00 : f32
    %mul3A_620 = vector.broadcast %mul3A_619 : f32 to vector<784x1024xf32>
    %mul3A_621 = arith.mulf %mul3A_620, %dot_general3A_618 : vector<784x1024xf32>
    %sub3A_622 = vector.broadcast %broadcast_in_dim3A_503 : vector<1x1024xf32> to vector<784x1024xf32>
    %sub3A_623 = arith.subf %sub3A_622, %mul3A_621 : vector<784x1024xf32>
    %iota3A_624 = tpu.iota {dimensions = array<i32: 1>} : vector<784x1024xi32>
    %reduce_min3A_625 = arith.constant dense<0x7F800000> : vector<784xf32>
    %reduce_min3A_626 = vector.multi_reduction <minimumf>, %sub3A_623, %reduce_min3A_625 [1] : vector<784x1024xf32> to vector<784xf32>
    %broadcast_in_dim3A_627 = vector.shape_cast %reduce_min3A_626 : vector<784xf32> to vector<784x1xf32>
    %eq3A_628 = vector.broadcast %broadcast_in_dim3A_627 : vector<784x1xf32> to vector<784x1024xf32>
    %eq3A_629 = arith.cmpf oeq, %sub3A_623, %eq3A_628 : vector<784x1024xf32>
    %jit3A_630 = arith.constant 1024 : i32
    %broadcast_in_dim3A_631 = vector.broadcast %jit3A_630 : i32 to vector<784x1024xi32>
    %select_n3A_632 = arith.select %eq3A_629, %iota3A_624, %broadcast_in_dim3A_631 : vector<784x1024xi1>, vector<784x1024xi32>
    %reduce_min3A_633 = arith.constant dense<2147483647> : vector<784xi32>
    %reduce_min3A_634 = vector.multi_reduction <minsi>, %select_n3A_632, %reduce_min3A_633 [1] : vector<784x1024xi32> to vector<784xi32>
    %broadcast_in_dim3A_635 = vector.shape_cast %reduce_min3A_634 : vector<784xi32> to vector<784x1xi32>
    %reduce_sum3A_636 = vector.shape_cast %broadcast_in_dim3A_627 : vector<784x1xf32> to vector<1x784x1xf32>
    %reduce_sum3A_637 = arith.constant dense<0.000000e+00> : vector<1xf32>
    %reduce_sum3A_638 = vector.multi_reduction <add>, %reduce_sum3A_636, %reduce_sum3A_637 [1, 2] : vector<1x784x1xf32> to vector<1xf32>
    %reduce_sum3A_639 = vector.shape_cast %reduce_sum3A_638 : vector<1xf32> to vector<1x1x1xf32>
    %reduce_sum3A_640 = vector.extract %reduce_sum3A_639[0, 0, 0] : f32 from vector<1x1x1xf32>
    %reshape3A_641 = vector.broadcast %reduce_sum3A_640 : f32 to vector<1x1xf32>
    %add3A_642 = arith.addf %add3A_606, %reshape3A_641 : vector<1x1xf32>
    %swap3A_643 = arith.constant 0 : index
    %swap3A_644 = arith.constant 2352 : index
    %swap3A_645 = arith.constant 0 : index
    %swap3A_646 = vector.load %arg9[%swap3A_643, %swap3A_644, %swap3A_645] : memref<1x3136x1xi32, #tpu.memory_space<vmem>>, vector<1x784x1xi32>
    %swap3A_647 = vector.shape_cast %swap3A_646 : vector<1x784x1xi32> to vector<784x1xi32>
    %swap3A_648 = vector.shape_cast %broadcast_in_dim3A_635 : vector<784x1xi32> to vector<1x784x1xi32>
    tpu.vector_store %arg9[%swap3A_643, %swap3A_644, %swap3A_645], %swap3A_648 {strides = array<i32>} : memref<1x3136x1xi32, #tpu.memory_space<vmem>>, vector<1x784x1xi32>,
    %get3A_649 = arith.constant 0 : index
    %get3A_650 = arith.constant 0 : index
    %get3A_651 = vector.load %arg10[%get3A_649, %get3A_650] : memref<1x1xf32, #tpu.memory_space<vmem>>, vector<1x1xf32>
    %add3A_652 = arith.addf %get3A_651, %add3A_642 : vector<1x1xf32>
    %swap3A_653 = arith.constant 0 : index
    %swap3A_654 = arith.constant 0 : index
    %swap3A_655 = vector.load %arg10[%swap3A_653, %swap3A_654] : memref<1x1xf32, #tpu.memory_space<vmem>>, vector<1x1xf32>
    tpu.vector_store %arg10[%swap3A_653, %swap3A_654], %add3A_652 {strides = array<i32>} : memref<1x1xf32, #tpu.memory_space<vmem>>, vector<1x1xf32>,
    return
  }
  func.func @transform_0(%arg0: i32) -> (i32, i32, i32, i32) {
    %c0_i32 = arith.constant 0 : i32
    %c0_i32_0 = arith.constant 0 : i32
    %c0_i32_1 = arith.constant 0 : i32
    %c0_i32_2 = arith.constant 0 : i32
    return %arg0, %c0_i32, %c0_i32_0, %c0_i32_1 : i32, i32, i32, i32
  }
  func.func @transform_1(%arg0: i32) -> (i32, i32, i32) {
    %c0_i32 = arith.constant 0 : i32
    %c0_i32_0 = arith.constant 0 : i32
    %c0_i32_1 = arith.constant 0 : i32
    %c0_i32_2 = arith.constant 0 : i32
    return %c0_i32, %c0_i32_0, %c0_i32_1 : i32, i32, i32
  }
  func.func @transform_2(%arg0: i32) -> (i32, i32) {
    %c0_i32 = arith.constant 0 : i32
    %c0_i32_0 = arith.constant 0 : i32
    %c0_i32_1 = arith.constant 0 : i32
    return %c0_i32, %c0_i32_0 : i32, i32
  }
  func.func @transform_3(%arg0: i32) -> (i32, i32, i32) {
    %c0_i32 = arith.constant 0 : i32
    %c0_i32_0 = arith.constant 0 : i32
    %c0_i32_1 = arith.constant 0 : i32
    %c0_i32_2 = arith.constant 0 : i32
    return %c0_i32, %c0_i32_0, %c0_i32_1 : i32, i32, i32
  }
  func.func @transform_4(%arg0: i32) -> (i32, i32) {
    %c0_i32 = arith.constant 0 : i32
    %c0_i32_0 = arith.constant 0 : i32
    %c0_i32_1 = arith.constant 0 : i32
    return %c0_i32, %c0_i32_0 : i32, i32
  }
  func.func @transform_5(%arg0: i32) -> (i32, i32, i32) {
    %c0_i32 = arith.constant 0 : i32
    %c0_i32_0 = arith.constant 0 : i32
    %c0_i32_1 = arith.constant 0 : i32
    %c0_i32_2 = arith.constant 0 : i32
    return %c0_i32, %c0_i32_0, %c0_i32_1 : i32, i32, i32
  }
  func.func @transform_6(%arg0: i32) -> (i32, i32) {
    %c0_i32 = arith.constant 0 : i32
    %c0_i32_0 = arith.constant 0 : i32
    %c0_i32_1 = arith.constant 0 : i32
    return %c0_i32, %c0_i32_0 : i32, i32
  }
  func.func @transform_7(%arg0: i32) -> (i32, i32) {
    %c0_i32 = arith.constant 0 : i32
    %c0_i32_0 = arith.constant 0 : i32
    %c0_i32_1 = arith.constant 0 : i32
    return %c0_i32, %c0_i32_0 : i32, i32
  }
  func.func @transform_8(%arg0: i32) -> (i32, i32, i32) {
    %c0_i32 = arith.constant 0 : i32
    %c0_i32_0 = arith.constant 0 : i32
    %c0_i32_1 = arith.constant 0 : i32
    return %arg0, %c0_i32, %c0_i32_0 : i32, i32, i32
  }
  func.func @transform_9(%arg0: i32) -> (i32, i32) {
    %c0_i32 = arith.constant 0 : i32
    %c0_i32_0 = arith.constant 0 : i32
    %c0_i32_1 = arith.constant 0 : i32
    return %c0_i32, %c0_i32_0 : i32, i32
  }
}

module attributes {stable_mosaic.version = 14 : i64} {
  func.func @_dec_body(%arg0: i32, %arg1: memref<1x56x56x128xf32, #tpu.memory_space<vmem>>, %arg2: memref<9x32x128xf32, #tpu.memory_space<vmem>>, %arg3: memref<1x128xf32, #tpu.memory_space<vmem>>, %arg4: memref<4x128x128xf32, #tpu.memory_space<vmem>>, %arg5: memref<4x128x256xf32, #tpu.memory_space<vmem>>, %arg6: memref<128x512xf32, #tpu.memory_space<vmem>>, %arg7: memref<1x128xf32, #tpu.memory_space<vmem>>, %arg8: memref<16x128x48xf32, #tpu.memory_space<vmem>>, %arg9: memref<1x48xf32, #tpu.memory_space<vmem>>, %arg10: memref<1x56x56x48xf32, #tpu.memory_space<vmem>>, %arg11: memref<58x64x32xf32, #tpu.memory_space<vmem>>, %arg12: memref<58x64x128xf32, #tpu.memory_space<vmem>>, %arg13: memref<2x2x58x64x128xf32, #tpu.memory_space<vmem>>) attributes {dimension_semantics = [#tpu.dimension_semantics<arbitrary>], iteration_bounds = array<i64: 16>, scalar_prefetch = 0 : i64, scratch_operands = 3 : i64, tpu.core_type = #tpu.core_type<tc>, window_params = [{transform_indices = @transform_0, window_bounds = array<i64: 1, 56, 56, 128>}, {pipeline_mode = #tpu.pipeline_mode<synchronous>, transform_indices = @transform_1, window_bounds = array<i64: 9, 32, 128>}, {pipeline_mode = #tpu.pipeline_mode<synchronous>, transform_indices = @transform_2, window_bounds = array<i64: 1, 128>}, {pipeline_mode = #tpu.pipeline_mode<synchronous>, transform_indices = @transform_3, window_bounds = array<i64: 4, 128, 128>}, {pipeline_mode = #tpu.pipeline_mode<synchronous>, transform_indices = @transform_4, window_bounds = array<i64: 4, 128, 256>}, {pipeline_mode = #tpu.pipeline_mode<synchronous>, transform_indices = @transform_5, window_bounds = array<i64: 128, 512>}, {pipeline_mode = #tpu.pipeline_mode<synchronous>, transform_indices = @transform_6, window_bounds = array<i64: 1, 128>}, {pipeline_mode = #tpu.pipeline_mode<synchronous>, transform_indices = @transform_7, window_bounds = array<i64: 16, 128, 48>}, {pipeline_mode = #tpu.pipeline_mode<synchronous>, transform_indices = @transform_8, window_bounds = array<i64: 1, 48>}, {transform_indices = @transform_9, window_bounds = array<i64: 1, 56, 56, 48>}]} {
    %eq3A = arith.constant 0 : i32
    %eq3A_0 = arith.cmpi eq, %arg0, %eq3A : i32
    %convert_element_type3A = arith.extui %eq3A_0 : i1 to i32
    %cond3A = arith.constant 0 : i32
    %cond3A_1 = arith.cmpi ne, %convert_element_type3A, %cond3A : i32
    scf.if %cond3A_1 {
      %broadcast_in_dim3A_617 = arith.constant 0.000000e+00 : f32
      %broadcast_in_dim3A_618 = vector.broadcast %broadcast_in_dim3A_617 : f32 to vector<58x64x32xf32>
      %swap3A_619 = arith.constant 0 : index
      %swap3A_620 = arith.constant 0 : index
      %swap3A_621 = arith.constant 0 : index
      %swap3A_622 = vector.load %arg11[%swap3A_619, %swap3A_620, %swap3A_621] : memref<58x64x32xf32, #tpu.memory_space<vmem>>, vector<58x64x32xf32>
      tpu.vector_store %arg11[%swap3A_619, %swap3A_620, %swap3A_621], %broadcast_in_dim3A_618 {strides = array<i32>} : memref<58x64x32xf32, #tpu.memory_space<vmem>>, vector<58x64x32xf32>,
      %broadcast_in_dim3A_623 = arith.constant 0.000000e+00 : f32
      %broadcast_in_dim3A_624 = vector.broadcast %broadcast_in_dim3A_623 : f32 to vector<58x64x128xf32>
      %swap3A_625 = arith.constant 0 : index
      %swap3A_626 = arith.constant 0 : index
      %swap3A_627 = arith.constant 0 : index
      %swap3A_628 = vector.load %arg12[%swap3A_625, %swap3A_626, %swap3A_627] : memref<58x64x128xf32, #tpu.memory_space<vmem>>, vector<58x64x128xf32>
      tpu.vector_store %arg12[%swap3A_625, %swap3A_626, %swap3A_627], %broadcast_in_dim3A_624 {strides = array<i32>} : memref<58x64x128xf32, #tpu.memory_space<vmem>>, vector<58x64x128xf32>,
      %broadcast_in_dim3A_629 = arith.constant 0.000000e+00 : f32
      %broadcast_in_dim3A_630 = vector.broadcast %broadcast_in_dim3A_629 : f32 to vector<2x2x58x64x128xf32>
      %swap3A_631 = arith.constant 0 : index
      %swap3A_632 = arith.constant 0 : index
      %swap3A_633 = arith.constant 0 : index
      %swap3A_634 = arith.constant 0 : index
      %swap3A_635 = arith.constant 0 : index
      %swap3A_636 = vector.load %arg13[%swap3A_631, %swap3A_632, %swap3A_633, %swap3A_634, %swap3A_635] : memref<2x2x58x64x128xf32, #tpu.memory_space<vmem>>, vector<2x2x58x64x128xf32>
      tpu.vector_store %arg13[%swap3A_631, %swap3A_632, %swap3A_633, %swap3A_634, %swap3A_635], %broadcast_in_dim3A_630 {strides = array<i32>} : memref<2x2x58x64x128xf32, #tpu.memory_space<vmem>>, vector<2x2x58x64x128xf32>,
    } else {
    }
    %get3A = arith.constant 0 : index
    %get3A_2 = arith.constant 0 : index
    %get3A_3 = arith.constant 0 : index
    %get3A_4 = arith.constant 0 : index
    %get3A_5 = vector.load %arg1[%get3A, %get3A_2, %get3A_3, %get3A_4] : memref<1x56x56x128xf32, #tpu.memory_space<vmem>>, vector<1x56x56x32xf32>
    %get3A_6 = vector.shape_cast %get3A_5 : vector<1x56x56x32xf32> to vector<56x56x32xf32>
    %swap3A = arith.constant 1 : index
    %swap3A_7 = arith.constant 1 : index
    %swap3A_8 = arith.constant 0 : index
    %swap3A_9 = vector.load %arg11[%swap3A, %swap3A_7, %swap3A_8] : memref<58x64x32xf32, #tpu.memory_space<vmem>>, vector<56x56x32xf32>
    tpu.vector_store %arg11[%swap3A, %swap3A_7, %swap3A_8], %get3A_6 {strides = array<i32>} : memref<58x64x32xf32, #tpu.memory_space<vmem>>, vector<56x56x32xf32>,
    %broadcast_in_dim3A = arith.constant 0.000000e+00 : f32
    %broadcast_in_dim3A_10 = vector.broadcast %broadcast_in_dim3A : f32 to vector<3136x128xf32>
    %get3A_11 = arith.constant 0 : index
    %get3A_12 = arith.constant 0 : index
    %get3A_13 = arith.constant 0 : index
    %get3A_14 = vector.load %arg11[%get3A_11, %get3A_12, %get3A_13] : memref<58x64x32xf32, #tpu.memory_space<vmem>>, vector<56x56x32xf32>
    %reshape3A = vector.shape_cast %get3A_14 : vector<56x56x32xf32> to vector<3136x32xf32>
    %get3A_15 = arith.constant 0 : index
    %get3A_16 = arith.constant 0 : index
    %get3A_17 = arith.constant 0 : index
    %get3A_18 = vector.load %arg2[%get3A_15, %get3A_16, %get3A_17] : memref<9x32x128xf32, #tpu.memory_space<vmem>>, vector<1x32x128xf32>
    %get3A_19 = vector.shape_cast %get3A_18 : vector<1x32x128xf32> to vector<32x128xf32>
    %dot_general3A = arith.constant dense<0.000000e+00> : vector<3136x128xf32>
    %dot_general3A_20 = tpu.matmul %reshape3A, %get3A_19, %dot_general3A {dimension_numbers = #tpu.dot_dimension_numbers<[1], [0], [0], [1], [0, 0, 1, 1], [], []>, transpose_lhs_hint = false} : vector<3136x32xf32>, vector<32x128xf32>, vector<3136x128xf32> -> vector<3136x128xf32>
    %add3A = arith.addf %broadcast_in_dim3A_10, %dot_general3A_20 : vector<3136x128xf32>
    %get3A_21 = arith.constant 0 : index
    %get3A_22 = arith.constant 1 : index
    %get3A_23 = arith.constant 0 : index
    %get3A_24 = vector.load %arg11[%get3A_21, %get3A_22, %get3A_23] : memref<58x64x32xf32, #tpu.memory_space<vmem>>, vector<56x56x32xf32>
    %reshape3A_25 = vector.shape_cast %get3A_24 : vector<56x56x32xf32> to vector<3136x32xf32>
    %get3A_26 = arith.constant 1 : index
    %get3A_27 = arith.constant 0 : index
    %get3A_28 = arith.constant 0 : index
    %get3A_29 = vector.load %arg2[%get3A_26, %get3A_27, %get3A_28] : memref<9x32x128xf32, #tpu.memory_space<vmem>>, vector<1x32x128xf32>
    %get3A_30 = vector.shape_cast %get3A_29 : vector<1x32x128xf32> to vector<32x128xf32>
    %dot_general3A_31 = arith.constant dense<0.000000e+00> : vector<3136x128xf32>
    %dot_general3A_32 = tpu.matmul %reshape3A_25, %get3A_30, %dot_general3A_31 {dimension_numbers = #tpu.dot_dimension_numbers<[1], [0], [0], [1], [0, 0, 1, 1], [], []>, transpose_lhs_hint = false} : vector<3136x32xf32>, vector<32x128xf32>, vector<3136x128xf32> -> vector<3136x128xf32>
    %add3A_33 = arith.addf %add3A, %dot_general3A_32 : vector<3136x128xf32>
    %get3A_34 = arith.constant 0 : index
    %get3A_35 = arith.constant 2 : index
    %get3A_36 = arith.constant 0 : index
    %get3A_37 = vector.load %arg11[%get3A_34, %get3A_35, %get3A_36] : memref<58x64x32xf32, #tpu.memory_space<vmem>>, vector<56x56x32xf32>
    %reshape3A_38 = vector.shape_cast %get3A_37 : vector<56x56x32xf32> to vector<3136x32xf32>
    %get3A_39 = arith.constant 2 : index
    %get3A_40 = arith.constant 0 : index
    %get3A_41 = arith.constant 0 : index
    %get3A_42 = vector.load %arg2[%get3A_39, %get3A_40, %get3A_41] : memref<9x32x128xf32, #tpu.memory_space<vmem>>, vector<1x32x128xf32>
    %get3A_43 = vector.shape_cast %get3A_42 : vector<1x32x128xf32> to vector<32x128xf32>
    %dot_general3A_44 = arith.constant dense<0.000000e+00> : vector<3136x128xf32>
    %dot_general3A_45 = tpu.matmul %reshape3A_38, %get3A_43, %dot_general3A_44 {dimension_numbers = #tpu.dot_dimension_numbers<[1], [0], [0], [1], [0, 0, 1, 1], [], []>, transpose_lhs_hint = false} : vector<3136x32xf32>, vector<32x128xf32>, vector<3136x128xf32> -> vector<3136x128xf32>
    %add3A_46 = arith.addf %add3A_33, %dot_general3A_45 : vector<3136x128xf32>
    %get3A_47 = arith.constant 1 : index
    %get3A_48 = arith.constant 0 : index
    %get3A_49 = arith.constant 0 : index
    %get3A_50 = vector.load %arg11[%get3A_47, %get3A_48, %get3A_49] : memref<58x64x32xf32, #tpu.memory_space<vmem>>, vector<56x56x32xf32>
    %reshape3A_51 = vector.shape_cast %get3A_50 : vector<56x56x32xf32> to vector<3136x32xf32>
    %get3A_52 = arith.constant 3 : index
    %get3A_53 = arith.constant 0 : index
    %get3A_54 = arith.constant 0 : index
    %get3A_55 = vector.load %arg2[%get3A_52, %get3A_53, %get3A_54] : memref<9x32x128xf32, #tpu.memory_space<vmem>>, vector<1x32x128xf32>
    %get3A_56 = vector.shape_cast %get3A_55 : vector<1x32x128xf32> to vector<32x128xf32>
    %dot_general3A_57 = arith.constant dense<0.000000e+00> : vector<3136x128xf32>
    %dot_general3A_58 = tpu.matmul %reshape3A_51, %get3A_56, %dot_general3A_57 {dimension_numbers = #tpu.dot_dimension_numbers<[1], [0], [0], [1], [0, 0, 1, 1], [], []>, transpose_lhs_hint = false} : vector<3136x32xf32>, vector<32x128xf32>, vector<3136x128xf32> -> vector<3136x128xf32>
    %add3A_59 = arith.addf %add3A_46, %dot_general3A_58 : vector<3136x128xf32>
    %get3A_60 = arith.constant 1 : index
    %get3A_61 = arith.constant 1 : index
    %get3A_62 = arith.constant 0 : index
    %get3A_63 = vector.load %arg11[%get3A_60, %get3A_61, %get3A_62] : memref<58x64x32xf32, #tpu.memory_space<vmem>>, vector<56x56x32xf32>
    %reshape3A_64 = vector.shape_cast %get3A_63 : vector<56x56x32xf32> to vector<3136x32xf32>
    %get3A_65 = arith.constant 4 : index
    %get3A_66 = arith.constant 0 : index
    %get3A_67 = arith.constant 0 : index
    %get3A_68 = vector.load %arg2[%get3A_65, %get3A_66, %get3A_67] : memref<9x32x128xf32, #tpu.memory_space<vmem>>, vector<1x32x128xf32>
    %get3A_69 = vector.shape_cast %get3A_68 : vector<1x32x128xf32> to vector<32x128xf32>
    %dot_general3A_70 = arith.constant dense<0.000000e+00> : vector<3136x128xf32>
    %dot_general3A_71 = tpu.matmul %reshape3A_64, %get3A_69, %dot_general3A_70 {dimension_numbers = #tpu.dot_dimension_numbers<[1], [0], [0], [1], [0, 0, 1, 1], [], []>, transpose_lhs_hint = false} : vector<3136x32xf32>, vector<32x128xf32>, vector<3136x128xf32> -> vector<3136x128xf32>
    %add3A_72 = arith.addf %add3A_59, %dot_general3A_71 : vector<3136x128xf32>
    %get3A_73 = arith.constant 1 : index
    %get3A_74 = arith.constant 2 : index
    %get3A_75 = arith.constant 0 : index
    %get3A_76 = vector.load %arg11[%get3A_73, %get3A_74, %get3A_75] : memref<58x64x32xf32, #tpu.memory_space<vmem>>, vector<56x56x32xf32>
    %reshape3A_77 = vector.shape_cast %get3A_76 : vector<56x56x32xf32> to vector<3136x32xf32>
    %get3A_78 = arith.constant 5 : index
    %get3A_79 = arith.constant 0 : index
    %get3A_80 = arith.constant 0 : index
    %get3A_81 = vector.load %arg2[%get3A_78, %get3A_79, %get3A_80] : memref<9x32x128xf32, #tpu.memory_space<vmem>>, vector<1x32x128xf32>
    %get3A_82 = vector.shape_cast %get3A_81 : vector<1x32x128xf32> to vector<32x128xf32>
    %dot_general3A_83 = arith.constant dense<0.000000e+00> : vector<3136x128xf32>
    %dot_general3A_84 = tpu.matmul %reshape3A_77, %get3A_82, %dot_general3A_83 {dimension_numbers = #tpu.dot_dimension_numbers<[1], [0], [0], [1], [0, 0, 1, 1], [], []>, transpose_lhs_hint = false} : vector<3136x32xf32>, vector<32x128xf32>, vector<3136x128xf32> -> vector<3136x128xf32>
    %add3A_85 = arith.addf %add3A_72, %dot_general3A_84 : vector<3136x128xf32>
    %get3A_86 = arith.constant 2 : index
    %get3A_87 = arith.constant 0 : index
    %get3A_88 = arith.constant 0 : index
    %get3A_89 = vector.load %arg11[%get3A_86, %get3A_87, %get3A_88] : memref<58x64x32xf32, #tpu.memory_space<vmem>>, vector<56x56x32xf32>
    %reshape3A_90 = vector.shape_cast %get3A_89 : vector<56x56x32xf32> to vector<3136x32xf32>
    %get3A_91 = arith.constant 6 : index
    %get3A_92 = arith.constant 0 : index
    %get3A_93 = arith.constant 0 : index
    %get3A_94 = vector.load %arg2[%get3A_91, %get3A_92, %get3A_93] : memref<9x32x128xf32, #tpu.memory_space<vmem>>, vector<1x32x128xf32>
    %get3A_95 = vector.shape_cast %get3A_94 : vector<1x32x128xf32> to vector<32x128xf32>
    %dot_general3A_96 = arith.constant dense<0.000000e+00> : vector<3136x128xf32>
    %dot_general3A_97 = tpu.matmul %reshape3A_90, %get3A_95, %dot_general3A_96 {dimension_numbers = #tpu.dot_dimension_numbers<[1], [0], [0], [1], [0, 0, 1, 1], [], []>, transpose_lhs_hint = false} : vector<3136x32xf32>, vector<32x128xf32>, vector<3136x128xf32> -> vector<3136x128xf32>
    %add3A_98 = arith.addf %add3A_85, %dot_general3A_97 : vector<3136x128xf32>
    %get3A_99 = arith.constant 2 : index
    %get3A_100 = arith.constant 1 : index
    %get3A_101 = arith.constant 0 : index
    %get3A_102 = vector.load %arg11[%get3A_99, %get3A_100, %get3A_101] : memref<58x64x32xf32, #tpu.memory_space<vmem>>, vector<56x56x32xf32>
    %reshape3A_103 = vector.shape_cast %get3A_102 : vector<56x56x32xf32> to vector<3136x32xf32>
    %get3A_104 = arith.constant 7 : index
    %get3A_105 = arith.constant 0 : index
    %get3A_106 = arith.constant 0 : index
    %get3A_107 = vector.load %arg2[%get3A_104, %get3A_105, %get3A_106] : memref<9x32x128xf32, #tpu.memory_space<vmem>>, vector<1x32x128xf32>
    %get3A_108 = vector.shape_cast %get3A_107 : vector<1x32x128xf32> to vector<32x128xf32>
    %dot_general3A_109 = arith.constant dense<0.000000e+00> : vector<3136x128xf32>
    %dot_general3A_110 = tpu.matmul %reshape3A_103, %get3A_108, %dot_general3A_109 {dimension_numbers = #tpu.dot_dimension_numbers<[1], [0], [0], [1], [0, 0, 1, 1], [], []>, transpose_lhs_hint = false} : vector<3136x32xf32>, vector<32x128xf32>, vector<3136x128xf32> -> vector<3136x128xf32>
    %add3A_111 = arith.addf %add3A_98, %dot_general3A_110 : vector<3136x128xf32>
    %get3A_112 = arith.constant 2 : index
    %get3A_113 = arith.constant 2 : index
    %get3A_114 = arith.constant 0 : index
    %get3A_115 = vector.load %arg11[%get3A_112, %get3A_113, %get3A_114] : memref<58x64x32xf32, #tpu.memory_space<vmem>>, vector<56x56x32xf32>
    %reshape3A_116 = vector.shape_cast %get3A_115 : vector<56x56x32xf32> to vector<3136x32xf32>
    %get3A_117 = arith.constant 8 : index
    %get3A_118 = arith.constant 0 : index
    %get3A_119 = arith.constant 0 : index
    %get3A_120 = vector.load %arg2[%get3A_117, %get3A_118, %get3A_119] : memref<9x32x128xf32, #tpu.memory_space<vmem>>, vector<1x32x128xf32>
    %get3A_121 = vector.shape_cast %get3A_120 : vector<1x32x128xf32> to vector<32x128xf32>
    %dot_general3A_122 = arith.constant dense<0.000000e+00> : vector<3136x128xf32>
    %dot_general3A_123 = tpu.matmul %reshape3A_116, %get3A_121, %dot_general3A_122 {dimension_numbers = #tpu.dot_dimension_numbers<[1], [0], [0], [1], [0, 0, 1, 1], [], []>, transpose_lhs_hint = false} : vector<3136x32xf32>, vector<32x128xf32>, vector<3136x128xf32> -> vector<3136x128xf32>
    %add3A_124 = arith.addf %add3A_111, %dot_general3A_123 : vector<3136x128xf32>
    %get3A_125 = arith.constant 0 : index
    %get3A_126 = arith.constant 0 : index
    %get3A_127 = vector.load %arg3[%get3A_125, %get3A_126] : memref<1x128xf32, #tpu.memory_space<vmem>>, vector<1x128xf32>
    %add3A_128 = vector.broadcast %get3A_127 : vector<1x128xf32> to vector<3136x128xf32>
    %add3A_129 = arith.addf %add3A_124, %add3A_128 : vector<3136x128xf32>
    %max3A = arith.constant 0.000000e+00 : f32
    %max3A_130 = vector.broadcast %max3A : f32 to vector<3136x128xf32>
    %max3A_131 = arith.maximumf %add3A_129, %max3A_130 : vector<3136x128xf32>
    %reshape3A_132 = vector.shape_cast %max3A_131 : vector<3136x128xf32> to vector<56x56x128xf32>
    %swap3A_133 = arith.constant 1 : index
    %swap3A_134 = arith.constant 1 : index
    %swap3A_135 = arith.constant 0 : index
    %swap3A_136 = vector.load %arg12[%swap3A_133, %swap3A_134, %swap3A_135] : memref<58x64x128xf32, #tpu.memory_space<vmem>>, vector<56x56x128xf32>
    tpu.vector_store %arg12[%swap3A_133, %swap3A_134, %swap3A_135], %reshape3A_132 {strides = array<i32>} : memref<58x64x128xf32, #tpu.memory_space<vmem>>, vector<56x56x128xf32>,
    %broadcast_in_dim3A_137 = arith.constant 0.000000e+00 : f32
    %broadcast_in_dim3A_138 = vector.broadcast %broadcast_in_dim3A_137 : f32 to vector<3136x128xf32>
    %broadcast_in_dim3A_139 = arith.constant 0.000000e+00 : f32
    %broadcast_in_dim3A_140 = vector.broadcast %broadcast_in_dim3A_139 : f32 to vector<3136x128xf32>
    %broadcast_in_dim3A_141 = arith.constant 0.000000e+00 : f32
    %broadcast_in_dim3A_142 = vector.broadcast %broadcast_in_dim3A_141 : f32 to vector<3136x128xf32>
    %broadcast_in_dim3A_143 = arith.constant 0.000000e+00 : f32
    %broadcast_in_dim3A_144 = vector.broadcast %broadcast_in_dim3A_143 : f32 to vector<3136x128xf32>
    %get3A_145 = arith.constant 0 : index
    %get3A_146 = arith.constant 0 : index
    %get3A_147 = arith.constant 0 : index
    %get3A_148 = vector.load %arg4[%get3A_145, %get3A_146, %get3A_147] : memref<4x128x128xf32, #tpu.memory_space<vmem>>, vector<1x128x128xf32>
    %get3A_149 = vector.shape_cast %get3A_148 : vector<1x128x128xf32> to vector<128x128xf32>
    %get3A_150 = arith.constant 0 : index
    %get3A_151 = arith.constant 0 : index
    %get3A_152 = arith.constant 0 : index
    %get3A_153 = vector.load %arg12[%get3A_150, %get3A_151, %get3A_152] : memref<58x64x128xf32, #tpu.memory_space<vmem>>, vector<56x56x128xf32>
    %reshape3A_154 = vector.shape_cast %get3A_153 : vector<56x56x128xf32> to vector<3136x128xf32>
    %dot_general3A_155 = arith.constant dense<0.000000e+00> : vector<3136x128xf32>
    %dot_general3A_156 = tpu.matmul %reshape3A_154, %get3A_149, %dot_general3A_155 {dimension_numbers = #tpu.dot_dimension_numbers<[1], [0], [0], [1], [0, 0, 1, 1], [], []>, transpose_lhs_hint = false} : vector<3136x128xf32>, vector<128x128xf32>, vector<3136x128xf32> -> vector<3136x128xf32>
    %add3A_157 = arith.addf %broadcast_in_dim3A_138, %dot_general3A_156 : vector<3136x128xf32>
    %get3A_158 = arith.constant 0 : index
    %get3A_159 = arith.constant 0 : index
    %get3A_160 = arith.constant 0 : index
    %get3A_161 = vector.load %arg5[%get3A_158, %get3A_159, %get3A_160] : memref<4x128x256xf32, #tpu.memory_space<vmem>>, vector<1x128x256xf32>
    %get3A_162 = vector.shape_cast %get3A_161 : vector<1x128x256xf32> to vector<128x256xf32>
    %get3A_163 = arith.constant 0 : index
    %get3A_164 = arith.constant 1 : index
    %get3A_165 = arith.constant 0 : index
    %get3A_166 = vector.load %arg12[%get3A_163, %get3A_164, %get3A_165] : memref<58x64x128xf32, #tpu.memory_space<vmem>>, vector<56x56x128xf32>
    %reshape3A_167 = vector.shape_cast %get3A_166 : vector<56x56x128xf32> to vector<3136x128xf32>
    %dot_general3A_168 = arith.constant dense<0.000000e+00> : vector<3136x256xf32>
    %dot_general3A_169 = tpu.matmul %reshape3A_167, %get3A_162, %dot_general3A_168 {dimension_numbers = #tpu.dot_dimension_numbers<[1], [0], [0], [1], [0, 0, 1, 1], [], []>, transpose_lhs_hint = false} : vector<3136x128xf32>, vector<128x256xf32>, vector<3136x256xf32> -> vector<3136x256xf32>
    %slice3A = vector.extract_strided_slice %dot_general3A_169 {offsets = [0, 0], sizes = [3136, 128], strides = [1, 1]} : vector<3136x256xf32> to vector<3136x128xf32>
    %add3A_170 = arith.addf %add3A_157, %slice3A : vector<3136x128xf32>
    %slice3A_171 = vector.extract_strided_slice %dot_general3A_169 {offsets = [0, 128], sizes = [3136, 128], strides = [1, 1]} : vector<3136x256xf32> to vector<3136x128xf32>
    %add3A_172 = arith.addf %broadcast_in_dim3A_140, %slice3A_171 : vector<3136x128xf32>
    %get3A_173 = arith.constant 1 : index
    %get3A_174 = arith.constant 0 : index
    %get3A_175 = arith.constant 0 : index
    %get3A_176 = vector.load %arg4[%get3A_173, %get3A_174, %get3A_175] : memref<4x128x128xf32, #tpu.memory_space<vmem>>, vector<1x128x128xf32>
    %get3A_177 = vector.shape_cast %get3A_176 : vector<1x128x128xf32> to vector<128x128xf32>
    %get3A_178 = arith.constant 0 : index
    %get3A_179 = arith.constant 2 : index
    %get3A_180 = arith.constant 0 : index
    %get3A_181 = vector.load %arg12[%get3A_178, %get3A_179, %get3A_180] : memref<58x64x128xf32, #tpu.memory_space<vmem>>, vector<56x56x128xf32>
    %reshape3A_182 = vector.shape_cast %get3A_181 : vector<56x56x128xf32> to vector<3136x128xf32>
    %dot_general3A_183 = arith.constant dense<0.000000e+00> : vector<3136x128xf32>
    %dot_general3A_184 = tpu.matmul %reshape3A_182, %get3A_177, %dot_general3A_183 {dimension_numbers = #tpu.dot_dimension_numbers<[1], [0], [0], [1], [0, 0, 1, 1], [], []>, transpose_lhs_hint = false} : vector<3136x128xf32>, vector<128x128xf32>, vector<3136x128xf32> -> vector<3136x128xf32>
    %add3A_185 = arith.addf %add3A_172, %dot_general3A_184 : vector<3136x128xf32>
    %get3A_186 = arith.constant 1 : index
    %get3A_187 = arith.constant 0 : index
    %get3A_188 = arith.constant 0 : index
    %get3A_189 = vector.load %arg5[%get3A_186, %get3A_187, %get3A_188] : memref<4x128x256xf32, #tpu.memory_space<vmem>>, vector<1x128x256xf32>
    %get3A_190 = vector.shape_cast %get3A_189 : vector<1x128x256xf32> to vector<128x256xf32>
    %get3A_191 = arith.constant 1 : index
    %get3A_192 = arith.constant 0 : index
    %get3A_193 = arith.constant 0 : index
    %get3A_194 = vector.load %arg12[%get3A_191, %get3A_192, %get3A_193] : memref<58x64x128xf32, #tpu.memory_space<vmem>>, vector<56x56x128xf32>
    %reshape3A_195 = vector.shape_cast %get3A_194 : vector<56x56x128xf32> to vector<3136x128xf32>
    %dot_general3A_196 = arith.constant dense<0.000000e+00> : vector<3136x256xf32>
    %dot_general3A_197 = tpu.matmul %reshape3A_195, %get3A_190, %dot_general3A_196 {dimension_numbers = #tpu.dot_dimension_numbers<[1], [0], [0], [1], [0, 0, 1, 1], [], []>, transpose_lhs_hint = false} : vector<3136x128xf32>, vector<128x256xf32>, vector<3136x256xf32> -> vector<3136x256xf32>
    %slice3A_198 = vector.extract_strided_slice %dot_general3A_197 {offsets = [0, 0], sizes = [3136, 128], strides = [1, 1]} : vector<3136x256xf32> to vector<3136x128xf32>
    %add3A_199 = arith.addf %add3A_170, %slice3A_198 : vector<3136x128xf32>
    %slice3A_200 = vector.extract_strided_slice %dot_general3A_197 {offsets = [0, 128], sizes = [3136, 128], strides = [1, 1]} : vector<3136x256xf32> to vector<3136x128xf32>
    %add3A_201 = arith.addf %broadcast_in_dim3A_142, %slice3A_200 : vector<3136x128xf32>
    %get3A_202 = arith.constant 0 : index
    %get3A_203 = arith.constant 0 : index
    %get3A_204 = vector.load %arg6[%get3A_202, %get3A_203] : memref<128x512xf32, #tpu.memory_space<vmem>>, vector<128x512xf32>
    %get3A_205 = arith.constant 1 : index
    %get3A_206 = arith.constant 1 : index
    %get3A_207 = arith.constant 0 : index
    %get3A_208 = vector.load %arg12[%get3A_205, %get3A_206, %get3A_207] : memref<58x64x128xf32, #tpu.memory_space<vmem>>, vector<56x56x128xf32>
    %reshape3A_209 = vector.shape_cast %get3A_208 : vector<56x56x128xf32> to vector<3136x128xf32>
    %dot_general3A_210 = arith.constant dense<0.000000e+00> : vector<3136x512xf32>
    %dot_general3A_211 = tpu.matmul %reshape3A_209, %get3A_204, %dot_general3A_210 {dimension_numbers = #tpu.dot_dimension_numbers<[1], [0], [0], [1], [0, 0, 1, 1], [], []>, transpose_lhs_hint = false} : vector<3136x128xf32>, vector<128x512xf32>, vector<3136x512xf32> -> vector<3136x512xf32>
    %slice3A_212 = vector.extract_strided_slice %dot_general3A_211 {offsets = [0, 0], sizes = [3136, 128], strides = [1, 1]} : vector<3136x512xf32> to vector<3136x128xf32>
    %add3A_213 = arith.addf %add3A_199, %slice3A_212 : vector<3136x128xf32>
    %slice3A_214 = vector.extract_strided_slice %dot_general3A_211 {offsets = [0, 128], sizes = [3136, 128], strides = [1, 1]} : vector<3136x512xf32> to vector<3136x128xf32>
    %add3A_215 = arith.addf %add3A_185, %slice3A_214 : vector<3136x128xf32>
    %slice3A_216 = vector.extract_strided_slice %dot_general3A_211 {offsets = [0, 256], sizes = [3136, 128], strides = [1, 1]} : vector<3136x512xf32> to vector<3136x128xf32>
    %add3A_217 = arith.addf %add3A_201, %slice3A_216 : vector<3136x128xf32>
    %slice3A_218 = vector.extract_strided_slice %dot_general3A_211 {offsets = [0, 384], sizes = [3136, 128], strides = [1, 1]} : vector<3136x512xf32> to vector<3136x128xf32>
    %add3A_219 = arith.addf %broadcast_in_dim3A_144, %slice3A_218 : vector<3136x128xf32>
    %get3A_220 = arith.constant 2 : index
    %get3A_221 = arith.constant 0 : index
    %get3A_222 = arith.constant 0 : index
    %get3A_223 = vector.load %arg5[%get3A_220, %get3A_221, %get3A_222] : memref<4x128x256xf32, #tpu.memory_space<vmem>>, vector<1x128x256xf32>
    %get3A_224 = vector.shape_cast %get3A_223 : vector<1x128x256xf32> to vector<128x256xf32>
    %get3A_225 = arith.constant 1 : index
    %get3A_226 = arith.constant 2 : index
    %get3A_227 = arith.constant 0 : index
    %get3A_228 = vector.load %arg12[%get3A_225, %get3A_226, %get3A_227] : memref<58x64x128xf32, #tpu.memory_space<vmem>>, vector<56x56x128xf32>
    %reshape3A_229 = vector.shape_cast %get3A_228 : vector<56x56x128xf32> to vector<3136x128xf32>
    %dot_general3A_230 = arith.constant dense<0.000000e+00> : vector<3136x256xf32>
    %dot_general3A_231 = tpu.matmul %reshape3A_229, %get3A_224, %dot_general3A_230 {dimension_numbers = #tpu.dot_dimension_numbers<[1], [0], [0], [1], [0, 0, 1, 1], [], []>, transpose_lhs_hint = false} : vector<3136x128xf32>, vector<128x256xf32>, vector<3136x256xf32> -> vector<3136x256xf32>
    %slice3A_232 = vector.extract_strided_slice %dot_general3A_231 {offsets = [0, 0], sizes = [3136, 128], strides = [1, 1]} : vector<3136x256xf32> to vector<3136x128xf32>
    %add3A_233 = arith.addf %add3A_215, %slice3A_232 : vector<3136x128xf32>
    %slice3A_234 = vector.extract_strided_slice %dot_general3A_231 {offsets = [0, 128], sizes = [3136, 128], strides = [1, 1]} : vector<3136x256xf32> to vector<3136x128xf32>
    %add3A_235 = arith.addf %add3A_219, %slice3A_234 : vector<3136x128xf32>
    %get3A_236 = arith.constant 2 : index
    %get3A_237 = arith.constant 0 : index
    %get3A_238 = arith.constant 0 : index
    %get3A_239 = vector.load %arg4[%get3A_236, %get3A_237, %get3A_238] : memref<4x128x128xf32, #tpu.memory_space<vmem>>, vector<1x128x128xf32>
    %get3A_240 = vector.shape_cast %get3A_239 : vector<1x128x128xf32> to vector<128x128xf32>
    %get3A_241 = arith.constant 2 : index
    %get3A_242 = arith.constant 0 : index
    %get3A_243 = arith.constant 0 : index
    %get3A_244 = vector.load %arg12[%get3A_241, %get3A_242, %get3A_243] : memref<58x64x128xf32, #tpu.memory_space<vmem>>, vector<56x56x128xf32>
    %reshape3A_245 = vector.shape_cast %get3A_244 : vector<56x56x128xf32> to vector<3136x128xf32>
    %dot_general3A_246 = arith.constant dense<0.000000e+00> : vector<3136x128xf32>
    %dot_general3A_247 = tpu.matmul %reshape3A_245, %get3A_240, %dot_general3A_246 {dimension_numbers = #tpu.dot_dimension_numbers<[1], [0], [0], [1], [0, 0, 1, 1], [], []>, transpose_lhs_hint = false} : vector<3136x128xf32>, vector<128x128xf32>, vector<3136x128xf32> -> vector<3136x128xf32>
    %add3A_248 = arith.addf %add3A_217, %dot_general3A_247 : vector<3136x128xf32>
    %get3A_249 = arith.constant 3 : index
    %get3A_250 = arith.constant 0 : index
    %get3A_251 = arith.constant 0 : index
    %get3A_252 = vector.load %arg5[%get3A_249, %get3A_250, %get3A_251] : memref<4x128x256xf32, #tpu.memory_space<vmem>>, vector<1x128x256xf32>
    %get3A_253 = vector.shape_cast %get3A_252 : vector<1x128x256xf32> to vector<128x256xf32>
    %get3A_254 = arith.constant 2 : index
    %get3A_255 = arith.constant 1 : index
    %get3A_256 = arith.constant 0 : index
    %get3A_257 = vector.load %arg12[%get3A_254, %get3A_255, %get3A_256] : memref<58x64x128xf32, #tpu.memory_space<vmem>>, vector<56x56x128xf32>
    %reshape3A_258 = vector.shape_cast %get3A_257 : vector<56x56x128xf32> to vector<3136x128xf32>
    %dot_general3A_259 = arith.constant dense<0.000000e+00> : vector<3136x256xf32>
    %dot_general3A_260 = tpu.matmul %reshape3A_258, %get3A_253, %dot_general3A_259 {dimension_numbers = #tpu.dot_dimension_numbers<[1], [0], [0], [1], [0, 0, 1, 1], [], []>, transpose_lhs_hint = false} : vector<3136x128xf32>, vector<128x256xf32>, vector<3136x256xf32> -> vector<3136x256xf32>
    %slice3A_261 = vector.extract_strided_slice %dot_general3A_260 {offsets = [0, 0], sizes = [3136, 128], strides = [1, 1]} : vector<3136x256xf32> to vector<3136x128xf32>
    %add3A_262 = arith.addf %add3A_248, %slice3A_261 : vector<3136x128xf32>
    %slice3A_263 = vector.extract_strided_slice %dot_general3A_260 {offsets = [0, 128], sizes = [3136, 128], strides = [1, 1]} : vector<3136x256xf32> to vector<3136x128xf32>
    %add3A_264 = arith.addf %add3A_235, %slice3A_263 : vector<3136x128xf32>
    %get3A_265 = arith.constant 3 : index
    %get3A_266 = arith.constant 0 : index
    %get3A_267 = arith.constant 0 : index
    %get3A_268 = vector.load %arg4[%get3A_265, %get3A_266, %get3A_267] : memref<4x128x128xf32, #tpu.memory_space<vmem>>, vector<1x128x128xf32>
    %get3A_269 = vector.shape_cast %get3A_268 : vector<1x128x128xf32> to vector<128x128xf32>
    %get3A_270 = arith.constant 2 : index
    %get3A_271 = arith.constant 2 : index
    %get3A_272 = arith.constant 0 : index
    %get3A_273 = vector.load %arg12[%get3A_270, %get3A_271, %get3A_272] : memref<58x64x128xf32, #tpu.memory_space<vmem>>, vector<56x56x128xf32>
    %reshape3A_274 = vector.shape_cast %get3A_273 : vector<56x56x128xf32> to vector<3136x128xf32>
    %dot_general3A_275 = arith.constant dense<0.000000e+00> : vector<3136x128xf32>
    %dot_general3A_276 = tpu.matmul %reshape3A_274, %get3A_269, %dot_general3A_275 {dimension_numbers = #tpu.dot_dimension_numbers<[1], [0], [0], [1], [0, 0, 1, 1], [], []>, transpose_lhs_hint = false} : vector<3136x128xf32>, vector<128x128xf32>, vector<3136x128xf32> -> vector<3136x128xf32>
    %add3A_277 = arith.addf %add3A_264, %dot_general3A_276 : vector<3136x128xf32>
    %get3A_278 = arith.constant 0 : index
    %get3A_279 = arith.constant 0 : index
    %get3A_280 = vector.load %arg7[%get3A_278, %get3A_279] : memref<1x128xf32, #tpu.memory_space<vmem>>, vector<1x128xf32>
    %add3A_281 = vector.broadcast %get3A_280 : vector<1x128xf32> to vector<3136x128xf32>
    %add3A_282 = arith.addf %add3A_213, %add3A_281 : vector<3136x128xf32>
    %max3A_283 = arith.constant 0.000000e+00 : f32
    %max3A_284 = vector.broadcast %max3A_283 : f32 to vector<3136x128xf32>
    %max3A_285 = arith.maximumf %add3A_282, %max3A_284 : vector<3136x128xf32>
    %reshape3A_286 = vector.shape_cast %max3A_285 : vector<3136x128xf32> to vector<56x56x128xf32>
    %swap3A_287 = arith.constant 0 : index
    %swap3A_288 = arith.constant 0 : index
    %swap3A_289 = arith.constant 1 : index
    %swap3A_290 = arith.constant 1 : index
    %swap3A_291 = arith.constant 0 : index
    %swap3A_292 = vector.load %arg13[%swap3A_287, %swap3A_288, %swap3A_289, %swap3A_290, %swap3A_291] : memref<2x2x58x64x128xf32, #tpu.memory_space<vmem>>, vector<1x1x56x56x128xf32>
    %swap3A_293 = vector.shape_cast %swap3A_292 : vector<1x1x56x56x128xf32> to vector<56x56x128xf32>
    %swap3A_294 = vector.shape_cast %reshape3A_286 : vector<56x56x128xf32> to vector<1x1x56x56x128xf32>
    tpu.vector_store %arg13[%swap3A_287, %swap3A_288, %swap3A_289, %swap3A_290, %swap3A_291], %swap3A_294 {strides = array<i32>} : memref<2x2x58x64x128xf32, #tpu.memory_space<vmem>>, vector<1x1x56x56x128xf32>,
    %get3A_295 = arith.constant 0 : index
    %get3A_296 = arith.constant 0 : index
    %get3A_297 = vector.load %arg7[%get3A_295, %get3A_296] : memref<1x128xf32, #tpu.memory_space<vmem>>, vector<1x128xf32>
    %add3A_298 = vector.broadcast %get3A_297 : vector<1x128xf32> to vector<3136x128xf32>
    %add3A_299 = arith.addf %add3A_233, %add3A_298 : vector<3136x128xf32>
    %max3A_300 = arith.constant 0.000000e+00 : f32
    %max3A_301 = vector.broadcast %max3A_300 : f32 to vector<3136x128xf32>
    %max3A_302 = arith.maximumf %add3A_299, %max3A_301 : vector<3136x128xf32>
    %reshape3A_303 = vector.shape_cast %max3A_302 : vector<3136x128xf32> to vector<56x56x128xf32>
    %swap3A_304 = arith.constant 0 : index
    %swap3A_305 = arith.constant 1 : index
    %swap3A_306 = arith.constant 1 : index
    %swap3A_307 = arith.constant 1 : index
    %swap3A_308 = arith.constant 0 : index
    %swap3A_309 = vector.load %arg13[%swap3A_304, %swap3A_305, %swap3A_306, %swap3A_307, %swap3A_308] : memref<2x2x58x64x128xf32, #tpu.memory_space<vmem>>, vector<1x1x56x56x128xf32>
    %swap3A_310 = vector.shape_cast %swap3A_309 : vector<1x1x56x56x128xf32> to vector<56x56x128xf32>
    %swap3A_311 = vector.shape_cast %reshape3A_303 : vector<56x56x128xf32> to vector<1x1x56x56x128xf32>
    tpu.vector_store %arg13[%swap3A_304, %swap3A_305, %swap3A_306, %swap3A_307, %swap3A_308], %swap3A_311 {strides = array<i32>} : memref<2x2x58x64x128xf32, #tpu.memory_space<vmem>>, vector<1x1x56x56x128xf32>,
    %get3A_312 = arith.constant 0 : index
    %get3A_313 = arith.constant 0 : index
    %get3A_314 = vector.load %arg7[%get3A_312, %get3A_313] : memref<1x128xf32, #tpu.memory_space<vmem>>, vector<1x128xf32>
    %add3A_315 = vector.broadcast %get3A_314 : vector<1x128xf32> to vector<3136x128xf32>
    %add3A_316 = arith.addf %add3A_262, %add3A_315 : vector<3136x128xf32>
    %max3A_317 = arith.constant 0.000000e+00 : f32
    %max3A_318 = vector.broadcast %max3A_317 : f32 to vector<3136x128xf32>
    %max3A_319 = arith.maximumf %add3A_316, %max3A_318 : vector<3136x128xf32>
    %reshape3A_320 = vector.shape_cast %max3A_319 : vector<3136x128xf32> to vector<56x56x128xf32>
    %swap3A_321 = arith.constant 1 : index
    %swap3A_322 = arith.constant 0 : index
    %swap3A_323 = arith.constant 1 : index
    %swap3A_324 = arith.constant 1 : index
    %swap3A_325 = arith.constant 0 : index
    %swap3A_326 = vector.load %arg13[%swap3A_321, %swap3A_322, %swap3A_323, %swap3A_324, %swap3A_325] : memref<2x2x58x64x128xf32, #tpu.memory_space<vmem>>, vector<1x1x56x56x128xf32>
    %swap3A_327 = vector.shape_cast %swap3A_326 : vector<1x1x56x56x128xf32> to vector<56x56x128xf32>
    %swap3A_328 = vector.shape_cast %reshape3A_320 : vector<56x56x128xf32> to vector<1x1x56x56x128xf32>
    tpu.vector_store %arg13[%swap3A_321, %swap3A_322, %swap3A_323, %swap3A_324, %swap3A_325], %swap3A_328 {strides = array<i32>} : memref<2x2x58x64x128xf32, #tpu.memory_space<vmem>>, vector<1x1x56x56x128xf32>,
    %get3A_329 = arith.constant 0 : index
    %get3A_330 = arith.constant 0 : index
    %get3A_331 = vector.load %arg7[%get3A_329, %get3A_330] : memref<1x128xf32, #tpu.memory_space<vmem>>, vector<1x128xf32>
    %add3A_332 = vector.broadcast %get3A_331 : vector<1x128xf32> to vector<3136x128xf32>
    %add3A_333 = arith.addf %add3A_277, %add3A_332 : vector<3136x128xf32>
    %max3A_334 = arith.constant 0.000000e+00 : f32
    %max3A_335 = vector.broadcast %max3A_334 : f32 to vector<3136x128xf32>
    %max3A_336 = arith.maximumf %add3A_333, %max3A_335 : vector<3136x128xf32>
    %reshape3A_337 = vector.shape_cast %max3A_336 : vector<3136x128xf32> to vector<56x56x128xf32>
    %swap3A_338 = arith.constant 1 : index
    %swap3A_339 = arith.constant 1 : index
    %swap3A_340 = arith.constant 1 : index
    %swap3A_341 = arith.constant 1 : index
    %swap3A_342 = arith.constant 0 : index
    %swap3A_343 = vector.load %arg13[%swap3A_338, %swap3A_339, %swap3A_340, %swap3A_341, %swap3A_342] : memref<2x2x58x64x128xf32, #tpu.memory_space<vmem>>, vector<1x1x56x56x128xf32>
    %swap3A_344 = vector.shape_cast %swap3A_343 : vector<1x1x56x56x128xf32> to vector<56x56x128xf32>
    %swap3A_345 = vector.shape_cast %reshape3A_337 : vector<56x56x128xf32> to vector<1x1x56x56x128xf32>
    tpu.vector_store %arg13[%swap3A_338, %swap3A_339, %swap3A_340, %swap3A_341, %swap3A_342], %swap3A_345 {strides = array<i32>} : memref<2x2x58x64x128xf32, #tpu.memory_space<vmem>>, vector<1x1x56x56x128xf32>,
    %broadcast_in_dim3A_346 = arith.constant 0.000000e+00 : f32
    %broadcast_in_dim3A_347 = vector.broadcast %broadcast_in_dim3A_346 : f32 to vector<3136x48xf32>
    %get3A_348 = arith.constant 1 : index
    %get3A_349 = arith.constant 1 : index
    %get3A_350 = arith.constant 0 : index
    %get3A_351 = arith.constant 0 : index
    %get3A_352 = arith.constant 0 : index
    %get3A_353 = vector.load %arg13[%get3A_348, %get3A_349, %get3A_350, %get3A_351, %get3A_352] : memref<2x2x58x64x128xf32, #tpu.memory_space<vmem>>, vector<1x1x56x56x128xf32>
    %get3A_354 = vector.shape_cast %get3A_353 : vector<1x1x56x56x128xf32> to vector<56x56x128xf32>
    %reshape3A_355 = vector.shape_cast %get3A_354 : vector<56x56x128xf32> to vector<3136x128xf32>
    %get3A_356 = arith.constant 0 : index
    %get3A_357 = arith.constant 0 : index
    %get3A_358 = arith.constant 0 : index
    %get3A_359 = vector.load %arg8[%get3A_356, %get3A_357, %get3A_358] : memref<16x128x48xf32, #tpu.memory_space<vmem>>, vector<1x128x48xf32>
    %get3A_360 = vector.shape_cast %get3A_359 : vector<1x128x48xf32> to vector<128x48xf32>
    %dot_general3A_361 = arith.constant dense<0.000000e+00> : vector<3136x48xf32>
    %dot_general3A_362 = tpu.matmul %reshape3A_355, %get3A_360, %dot_general3A_361 {dimension_numbers = #tpu.dot_dimension_numbers<[1], [0], [0], [1], [0, 0, 1, 1], [], []>, transpose_lhs_hint = false} : vector<3136x128xf32>, vector<128x48xf32>, vector<3136x48xf32> -> vector<3136x48xf32>
    %add3A_363 = arith.addf %broadcast_in_dim3A_347, %dot_general3A_362 : vector<3136x48xf32>
    %get3A_364 = arith.constant 1 : index
    %get3A_365 = arith.constant 0 : index
    %get3A_366 = arith.constant 0 : index
    %get3A_367 = arith.constant 1 : index
    %get3A_368 = arith.constant 0 : index
    %get3A_369 = vector.load %arg13[%get3A_364, %get3A_365, %get3A_366, %get3A_367, %get3A_368] : memref<2x2x58x64x128xf32, #tpu.memory_space<vmem>>, vector<1x1x56x56x128xf32>
    %get3A_370 = vector.shape_cast %get3A_369 : vector<1x1x56x56x128xf32> to vector<56x56x128xf32>
    %reshape3A_371 = vector.shape_cast %get3A_370 : vector<56x56x128xf32> to vector<3136x128xf32>
    %get3A_372 = arith.constant 1 : index
    %get3A_373 = arith.constant 0 : index
    %get3A_374 = arith.constant 0 : index
    %get3A_375 = vector.load %arg8[%get3A_372, %get3A_373, %get3A_374] : memref<16x128x48xf32, #tpu.memory_space<vmem>>, vector<1x128x48xf32>
    %get3A_376 = vector.shape_cast %get3A_375 : vector<1x128x48xf32> to vector<128x48xf32>
    %dot_general3A_377 = arith.constant dense<0.000000e+00> : vector<3136x48xf32>
    %dot_general3A_378 = tpu.matmul %reshape3A_371, %get3A_376, %dot_general3A_377 {dimension_numbers = #tpu.dot_dimension_numbers<[1], [0], [0], [1], [0, 0, 1, 1], [], []>, transpose_lhs_hint = false} : vector<3136x128xf32>, vector<128x48xf32>, vector<3136x48xf32> -> vector<3136x48xf32>
    %add3A_379 = arith.addf %add3A_363, %dot_general3A_378 : vector<3136x48xf32>
    %get3A_380 = arith.constant 1 : index
    %get3A_381 = arith.constant 1 : index
    %get3A_382 = arith.constant 0 : index
    %get3A_383 = arith.constant 1 : index
    %get3A_384 = arith.constant 0 : index
    %get3A_385 = vector.load %arg13[%get3A_380, %get3A_381, %get3A_382, %get3A_383, %get3A_384] : memref<2x2x58x64x128xf32, #tpu.memory_space<vmem>>, vector<1x1x56x56x128xf32>
    %get3A_386 = vector.shape_cast %get3A_385 : vector<1x1x56x56x128xf32> to vector<56x56x128xf32>
    %reshape3A_387 = vector.shape_cast %get3A_386 : vector<56x56x128xf32> to vector<3136x128xf32>
    %get3A_388 = arith.constant 2 : index
    %get3A_389 = arith.constant 0 : index
    %get3A_390 = arith.constant 0 : index
    %get3A_391 = vector.load %arg8[%get3A_388, %get3A_389, %get3A_390] : memref<16x128x48xf32, #tpu.memory_space<vmem>>, vector<1x128x48xf32>
    %get3A_392 = vector.shape_cast %get3A_391 : vector<1x128x48xf32> to vector<128x48xf32>
    %dot_general3A_393 = arith.constant dense<0.000000e+00> : vector<3136x48xf32>
    %dot_general3A_394 = tpu.matmul %reshape3A_387, %get3A_392, %dot_general3A_393 {dimension_numbers = #tpu.dot_dimension_numbers<[1], [0], [0], [1], [0, 0, 1, 1], [], []>, transpose_lhs_hint = false} : vector<3136x128xf32>, vector<128x48xf32>, vector<3136x48xf32> -> vector<3136x48xf32>
    %add3A_395 = arith.addf %add3A_379, %dot_general3A_394 : vector<3136x48xf32>
    %get3A_396 = arith.constant 1 : index
    %get3A_397 = arith.constant 0 : index
    %get3A_398 = arith.constant 0 : index
    %get3A_399 = arith.constant 2 : index
    %get3A_400 = arith.constant 0 : index
    %get3A_401 = vector.load %arg13[%get3A_396, %get3A_397, %get3A_398, %get3A_399, %get3A_400] : memref<2x2x58x64x128xf32, #tpu.memory_space<vmem>>, vector<1x1x56x56x128xf32>
    %get3A_402 = vector.shape_cast %get3A_401 : vector<1x1x56x56x128xf32> to vector<56x56x128xf32>
    %reshape3A_403 = vector.shape_cast %get3A_402 : vector<56x56x128xf32> to vector<3136x128xf32>
    %get3A_404 = arith.constant 3 : index
    %get3A_405 = arith.constant 0 : index
    %get3A_406 = arith.constant 0 : index
    %get3A_407 = vector.load %arg8[%get3A_404, %get3A_405, %get3A_406] : memref<16x128x48xf32, #tpu.memory_space<vmem>>, vector<1x128x48xf32>
    %get3A_408 = vector.shape_cast %get3A_407 : vector<1x128x48xf32> to vector<128x48xf32>
    %dot_general3A_409 = arith.constant dense<0.000000e+00> : vector<3136x48xf32>
    %dot_general3A_410 = tpu.matmul %reshape3A_403, %get3A_408, %dot_general3A_409 {dimension_numbers = #tpu.dot_dimension_numbers<[1], [0], [0], [1], [0, 0, 1, 1], [], []>, transpose_lhs_hint = false} : vector<3136x128xf32>, vector<128x48xf32>, vector<3136x48xf32> -> vector<3136x48xf32>
    %add3A_411 = arith.addf %add3A_395, %dot_general3A_410 : vector<3136x48xf32>
    %get3A_412 = arith.constant 0 : index
    %get3A_413 = arith.constant 1 : index
    %get3A_414 = arith.constant 1 : index
    %get3A_415 = arith.constant 0 : index
    %get3A_416 = arith.constant 0 : index
    %get3A_417 = vector.load %arg13[%get3A_412, %get3A_413, %get3A_414, %get3A_415, %get3A_416] : memref<2x2x58x64x128xf32, #tpu.memory_space<vmem>>, vector<1x1x56x56x128xf32>
    %get3A_418 = vector.shape_cast %get3A_417 : vector<1x1x56x56x128xf32> to vector<56x56x128xf32>
    %reshape3A_419 = vector.shape_cast %get3A_418 : vector<56x56x128xf32> to vector<3136x128xf32>
    %get3A_420 = arith.constant 4 : index
    %get3A_421 = arith.constant 0 : index
    %get3A_422 = arith.constant 0 : index
    %get3A_423 = vector.load %arg8[%get3A_420, %get3A_421, %get3A_422] : memref<16x128x48xf32, #tpu.memory_space<vmem>>, vector<1x128x48xf32>
    %get3A_424 = vector.shape_cast %get3A_423 : vector<1x128x48xf32> to vector<128x48xf32>
    %dot_general3A_425 = arith.constant dense<0.000000e+00> : vector<3136x48xf32>
    %dot_general3A_426 = tpu.matmul %reshape3A_419, %get3A_424, %dot_general3A_425 {dimension_numbers = #tpu.dot_dimension_numbers<[1], [0], [0], [1], [0, 0, 1, 1], [], []>, transpose_lhs_hint = false} : vector<3136x128xf32>, vector<128x48xf32>, vector<3136x48xf32> -> vector<3136x48xf32>
    %add3A_427 = arith.addf %add3A_411, %dot_general3A_426 : vector<3136x48xf32>
    %get3A_428 = arith.constant 0 : index
    %get3A_429 = arith.constant 0 : index
    %get3A_430 = arith.constant 1 : index
    %get3A_431 = arith.constant 1 : index
    %get3A_432 = arith.constant 0 : index
    %get3A_433 = vector.load %arg13[%get3A_428, %get3A_429, %get3A_430, %get3A_431, %get3A_432] : memref<2x2x58x64x128xf32, #tpu.memory_space<vmem>>, vector<1x1x56x56x128xf32>
    %get3A_434 = vector.shape_cast %get3A_433 : vector<1x1x56x56x128xf32> to vector<56x56x128xf32>
    %reshape3A_435 = vector.shape_cast %get3A_434 : vector<56x56x128xf32> to vector<3136x128xf32>
    %get3A_436 = arith.constant 5 : index
    %get3A_437 = arith.constant 0 : index
    %get3A_438 = arith.constant 0 : index
    %get3A_439 = vector.load %arg8[%get3A_436, %get3A_437, %get3A_438] : memref<16x128x48xf32, #tpu.memory_space<vmem>>, vector<1x128x48xf32>
    %get3A_440 = vector.shape_cast %get3A_439 : vector<1x128x48xf32> to vector<128x48xf32>
    %dot_general3A_441 = arith.constant dense<0.000000e+00> : vector<3136x48xf32>
    %dot_general3A_442 = tpu.matmul %reshape3A_435, %get3A_440, %dot_general3A_441 {dimension_numbers = #tpu.dot_dimension_numbers<[1], [0], [0], [1], [0, 0, 1, 1], [], []>, transpose_lhs_hint = false} : vector<3136x128xf32>, vector<128x48xf32>, vector<3136x48xf32> -> vector<3136x48xf32>
    %add3A_443 = arith.addf %add3A_427, %dot_general3A_442 : vector<3136x48xf32>
    %get3A_444 = arith.constant 0 : index
    %get3A_445 = arith.constant 1 : index
    %get3A_446 = arith.constant 1 : index
    %get3A_447 = arith.constant 1 : index
    %get3A_448 = arith.constant 0 : index
    %get3A_449 = vector.load %arg13[%get3A_444, %get3A_445, %get3A_446, %get3A_447, %get3A_448] : memref<2x2x58x64x128xf32, #tpu.memory_space<vmem>>, vector<1x1x56x56x128xf32>
    %get3A_450 = vector.shape_cast %get3A_449 : vector<1x1x56x56x128xf32> to vector<56x56x128xf32>
    %reshape3A_451 = vector.shape_cast %get3A_450 : vector<56x56x128xf32> to vector<3136x128xf32>
    %get3A_452 = arith.constant 6 : index
    %get3A_453 = arith.constant 0 : index
    %get3A_454 = arith.constant 0 : index
    %get3A_455 = vector.load %arg8[%get3A_452, %get3A_453, %get3A_454] : memref<16x128x48xf32, #tpu.memory_space<vmem>>, vector<1x128x48xf32>
    %get3A_456 = vector.shape_cast %get3A_455 : vector<1x128x48xf32> to vector<128x48xf32>
    %dot_general3A_457 = arith.constant dense<0.000000e+00> : vector<3136x48xf32>
    %dot_general3A_458 = tpu.matmul %reshape3A_451, %get3A_456, %dot_general3A_457 {dimension_numbers = #tpu.dot_dimension_numbers<[1], [0], [0], [1], [0, 0, 1, 1], [], []>, transpose_lhs_hint = false} : vector<3136x128xf32>, vector<128x48xf32>, vector<3136x48xf32> -> vector<3136x48xf32>
    %add3A_459 = arith.addf %add3A_443, %dot_general3A_458 : vector<3136x48xf32>
    %get3A_460 = arith.constant 0 : index
    %get3A_461 = arith.constant 0 : index
    %get3A_462 = arith.constant 1 : index
    %get3A_463 = arith.constant 2 : index
    %get3A_464 = arith.constant 0 : index
    %get3A_465 = vector.load %arg13[%get3A_460, %get3A_461, %get3A_462, %get3A_463, %get3A_464] : memref<2x2x58x64x128xf32, #tpu.memory_space<vmem>>, vector<1x1x56x56x128xf32>
    %get3A_466 = vector.shape_cast %get3A_465 : vector<1x1x56x56x128xf32> to vector<56x56x128xf32>
    %reshape3A_467 = vector.shape_cast %get3A_466 : vector<56x56x128xf32> to vector<3136x128xf32>
    %get3A_468 = arith.constant 7 : index
    %get3A_469 = arith.constant 0 : index
    %get3A_470 = arith.constant 0 : index
    %get3A_471 = vector.load %arg8[%get3A_468, %get3A_469, %get3A_470] : memref<16x128x48xf32, #tpu.memory_space<vmem>>, vector<1x128x48xf32>
    %get3A_472 = vector.shape_cast %get3A_471 : vector<1x128x48xf32> to vector<128x48xf32>
    %dot_general3A_473 = arith.constant dense<0.000000e+00> : vector<3136x48xf32>
    %dot_general3A_474 = tpu.matmul %reshape3A_467, %get3A_472, %dot_general3A_473 {dimension_numbers = #tpu.dot_dimension_numbers<[1], [0], [0], [1], [0, 0, 1, 1], [], []>, transpose_lhs_hint = false} : vector<3136x128xf32>, vector<128x48xf32>, vector<3136x48xf32> -> vector<3136x48xf32>
    %add3A_475 = arith.addf %add3A_459, %dot_general3A_474 : vector<3136x48xf32>
    %get3A_476 = arith.constant 1 : index
    %get3A_477 = arith.constant 1 : index
    %get3A_478 = arith.constant 1 : index
    %get3A_479 = arith.constant 0 : index
    %get3A_480 = arith.constant 0 : index
    %get3A_481 = vector.load %arg13[%get3A_476, %get3A_477, %get3A_478, %get3A_479, %get3A_480] : memref<2x2x58x64x128xf32, #tpu.memory_space<vmem>>, vector<1x1x56x56x128xf32>
    %get3A_482 = vector.shape_cast %get3A_481 : vector<1x1x56x56x128xf32> to vector<56x56x128xf32>
    %reshape3A_483 = vector.shape_cast %get3A_482 : vector<56x56x128xf32> to vector<3136x128xf32>
    %get3A_484 = arith.constant 8 : index
    %get3A_485 = arith.constant 0 : index
    %get3A_486 = arith.constant 0 : index
    %get3A_487 = vector.load %arg8[%get3A_484, %get3A_485, %get3A_486] : memref<16x128x48xf32, #tpu.memory_space<vmem>>, vector<1x128x48xf32>
    %get3A_488 = vector.shape_cast %get3A_487 : vector<1x128x48xf32> to vector<128x48xf32>
    %dot_general3A_489 = arith.constant dense<0.000000e+00> : vector<3136x48xf32>
    %dot_general3A_490 = tpu.matmul %reshape3A_483, %get3A_488, %dot_general3A_489 {dimension_numbers = #tpu.dot_dimension_numbers<[1], [0], [0], [1], [0, 0, 1, 1], [], []>, transpose_lhs_hint = false} : vector<3136x128xf32>, vector<128x48xf32>, vector<3136x48xf32> -> vector<3136x48xf32>
    %add3A_491 = arith.addf %add3A_475, %dot_general3A_490 : vector<3136x48xf32>
    %get3A_492 = arith.constant 1 : index
    %get3A_493 = arith.constant 0 : index
    %get3A_494 = arith.constant 1 : index
    %get3A_495 = arith.constant 1 : index
    %get3A_496 = arith.constant 0 : index
    %get3A_497 = vector.load %arg13[%get3A_492, %get3A_493, %get3A_494, %get3A_495, %get3A_496] : memref<2x2x58x64x128xf32, #tpu.memory_space<vmem>>, vector<1x1x56x56x128xf32>
    %get3A_498 = vector.shape_cast %get3A_497 : vector<1x1x56x56x128xf32> to vector<56x56x128xf32>
    %reshape3A_499 = vector.shape_cast %get3A_498 : vector<56x56x128xf32> to vector<3136x128xf32>
    %get3A_500 = arith.constant 9 : index
    %get3A_501 = arith.constant 0 : index
    %get3A_502 = arith.constant 0 : index
    %get3A_503 = vector.load %arg8[%get3A_500, %get3A_501, %get3A_502] : memref<16x128x48xf32, #tpu.memory_space<vmem>>, vector<1x128x48xf32>
    %get3A_504 = vector.shape_cast %get3A_503 : vector<1x128x48xf32> to vector<128x48xf32>
    %dot_general3A_505 = arith.constant dense<0.000000e+00> : vector<3136x48xf32>
    %dot_general3A_506 = tpu.matmul %reshape3A_499, %get3A_504, %dot_general3A_505 {dimension_numbers = #tpu.dot_dimension_numbers<[1], [0], [0], [1], [0, 0, 1, 1], [], []>, transpose_lhs_hint = false} : vector<3136x128xf32>, vector<128x48xf32>, vector<3136x48xf32> -> vector<3136x48xf32>
    %add3A_507 = arith.addf %add3A_491, %dot_general3A_506 : vector<3136x48xf32>
    %get3A_508 = arith.constant 1 : index
    %get3A_509 = arith.constant 1 : index
    %get3A_510 = arith.constant 1 : index
    %get3A_511 = arith.constant 1 : index
    %get3A_512 = arith.constant 0 : index
    %get3A_513 = vector.load %arg13[%get3A_508, %get3A_509, %get3A_510, %get3A_511, %get3A_512] : memref<2x2x58x64x128xf32, #tpu.memory_space<vmem>>, vector<1x1x56x56x128xf32>
    %get3A_514 = vector.shape_cast %get3A_513 : vector<1x1x56x56x128xf32> to vector<56x56x128xf32>
    %reshape3A_515 = vector.shape_cast %get3A_514 : vector<56x56x128xf32> to vector<3136x128xf32>
    %get3A_516 = arith.constant 10 : index
    %get3A_517 = arith.constant 0 : index
    %get3A_518 = arith.constant 0 : index
    %get3A_519 = vector.load %arg8[%get3A_516, %get3A_517, %get3A_518] : memref<16x128x48xf32, #tpu.memory_space<vmem>>, vector<1x128x48xf32>
    %get3A_520 = vector.shape_cast %get3A_519 : vector<1x128x48xf32> to vector<128x48xf32>
    %dot_general3A_521 = arith.constant dense<0.000000e+00> : vector<3136x48xf32>
    %dot_general3A_522 = tpu.matmul %reshape3A_515, %get3A_520, %dot_general3A_521 {dimension_numbers = #tpu.dot_dimension_numbers<[1], [0], [0], [1], [0, 0, 1, 1], [], []>, transpose_lhs_hint = false} : vector<3136x128xf32>, vector<128x48xf32>, vector<3136x48xf32> -> vector<3136x48xf32>
    %add3A_523 = arith.addf %add3A_507, %dot_general3A_522 : vector<3136x48xf32>
    %get3A_524 = arith.constant 1 : index
    %get3A_525 = arith.constant 0 : index
    %get3A_526 = arith.constant 1 : index
    %get3A_527 = arith.constant 2 : index
    %get3A_528 = arith.constant 0 : index
    %get3A_529 = vector.load %arg13[%get3A_524, %get3A_525, %get3A_526, %get3A_527, %get3A_528] : memref<2x2x58x64x128xf32, #tpu.memory_space<vmem>>, vector<1x1x56x56x128xf32>
    %get3A_530 = vector.shape_cast %get3A_529 : vector<1x1x56x56x128xf32> to vector<56x56x128xf32>
    %reshape3A_531 = vector.shape_cast %get3A_530 : vector<56x56x128xf32> to vector<3136x128xf32>
    %get3A_532 = arith.constant 11 : index
    %get3A_533 = arith.constant 0 : index
    %get3A_534 = arith.constant 0 : index
    %get3A_535 = vector.load %arg8[%get3A_532, %get3A_533, %get3A_534] : memref<16x128x48xf32, #tpu.memory_space<vmem>>, vector<1x128x48xf32>
    %get3A_536 = vector.shape_cast %get3A_535 : vector<1x128x48xf32> to vector<128x48xf32>
    %dot_general3A_537 = arith.constant dense<0.000000e+00> : vector<3136x48xf32>
    %dot_general3A_538 = tpu.matmul %reshape3A_531, %get3A_536, %dot_general3A_537 {dimension_numbers = #tpu.dot_dimension_numbers<[1], [0], [0], [1], [0, 0, 1, 1], [], []>, transpose_lhs_hint = false} : vector<3136x128xf32>, vector<128x48xf32>, vector<3136x48xf32> -> vector<3136x48xf32>
    %add3A_539 = arith.addf %add3A_523, %dot_general3A_538 : vector<3136x48xf32>
    %get3A_540 = arith.constant 0 : index
    %get3A_541 = arith.constant 1 : index
    %get3A_542 = arith.constant 2 : index
    %get3A_543 = arith.constant 0 : index
    %get3A_544 = arith.constant 0 : index
    %get3A_545 = vector.load %arg13[%get3A_540, %get3A_541, %get3A_542, %get3A_543, %get3A_544] : memref<2x2x58x64x128xf32, #tpu.memory_space<vmem>>, vector<1x1x56x56x128xf32>
    %get3A_546 = vector.shape_cast %get3A_545 : vector<1x1x56x56x128xf32> to vector<56x56x128xf32>
    %reshape3A_547 = vector.shape_cast %get3A_546 : vector<56x56x128xf32> to vector<3136x128xf32>
    %get3A_548 = arith.constant 12 : index
    %get3A_549 = arith.constant 0 : index
    %get3A_550 = arith.constant 0 : index
    %get3A_551 = vector.load %arg8[%get3A_548, %get3A_549, %get3A_550] : memref<16x128x48xf32, #tpu.memory_space<vmem>>, vector<1x128x48xf32>
    %get3A_552 = vector.shape_cast %get3A_551 : vector<1x128x48xf32> to vector<128x48xf32>
    %dot_general3A_553 = arith.constant dense<0.000000e+00> : vector<3136x48xf32>
    %dot_general3A_554 = tpu.matmul %reshape3A_547, %get3A_552, %dot_general3A_553 {dimension_numbers = #tpu.dot_dimension_numbers<[1], [0], [0], [1], [0, 0, 1, 1], [], []>, transpose_lhs_hint = false} : vector<3136x128xf32>, vector<128x48xf32>, vector<3136x48xf32> -> vector<3136x48xf32>
    %add3A_555 = arith.addf %add3A_539, %dot_general3A_554 : vector<3136x48xf32>
    %get3A_556 = arith.constant 0 : index
    %get3A_557 = arith.constant 0 : index
    %get3A_558 = arith.constant 2 : index
    %get3A_559 = arith.constant 1 : index
    %get3A_560 = arith.constant 0 : index
    %get3A_561 = vector.load %arg13[%get3A_556, %get3A_557, %get3A_558, %get3A_559, %get3A_560] : memref<2x2x58x64x128xf32, #tpu.memory_space<vmem>>, vector<1x1x56x56x128xf32>
    %get3A_562 = vector.shape_cast %get3A_561 : vector<1x1x56x56x128xf32> to vector<56x56x128xf32>
    %reshape3A_563 = vector.shape_cast %get3A_562 : vector<56x56x128xf32> to vector<3136x128xf32>
    %get3A_564 = arith.constant 13 : index
    %get3A_565 = arith.constant 0 : index
    %get3A_566 = arith.constant 0 : index
    %get3A_567 = vector.load %arg8[%get3A_564, %get3A_565, %get3A_566] : memref<16x128x48xf32, #tpu.memory_space<vmem>>, vector<1x128x48xf32>
    %get3A_568 = vector.shape_cast %get3A_567 : vector<1x128x48xf32> to vector<128x48xf32>
    %dot_general3A_569 = arith.constant dense<0.000000e+00> : vector<3136x48xf32>
    %dot_general3A_570 = tpu.matmul %reshape3A_563, %get3A_568, %dot_general3A_569 {dimension_numbers = #tpu.dot_dimension_numbers<[1], [0], [0], [1], [0, 0, 1, 1], [], []>, transpose_lhs_hint = false} : vector<3136x128xf32>, vector<128x48xf32>, vector<3136x48xf32> -> vector<3136x48xf32>
    %add3A_571 = arith.addf %add3A_555, %dot_general3A_570 : vector<3136x48xf32>
    %get3A_572 = arith.constant 0 : index
    %get3A_573 = arith.constant 1 : index
    %get3A_574 = arith.constant 2 : index
    %get3A_575 = arith.constant 1 : index
    %get3A_576 = arith.constant 0 : index
    %get3A_577 = vector.load %arg13[%get3A_572, %get3A_573, %get3A_574, %get3A_575, %get3A_576] : memref<2x2x58x64x128xf32, #tpu.memory_space<vmem>>, vector<1x1x56x56x128xf32>
    %get3A_578 = vector.shape_cast %get3A_577 : vector<1x1x56x56x128xf32> to vector<56x56x128xf32>
    %reshape3A_579 = vector.shape_cast %get3A_578 : vector<56x56x128xf32> to vector<3136x128xf32>
    %get3A_580 = arith.constant 14 : index
    %get3A_581 = arith.constant 0 : index
    %get3A_582 = arith.constant 0 : index
    %get3A_583 = vector.load %arg8[%get3A_580, %get3A_581, %get3A_582] : memref<16x128x48xf32, #tpu.memory_space<vmem>>, vector<1x128x48xf32>
    %get3A_584 = vector.shape_cast %get3A_583 : vector<1x128x48xf32> to vector<128x48xf32>
    %dot_general3A_585 = arith.constant dense<0.000000e+00> : vector<3136x48xf32>
    %dot_general3A_586 = tpu.matmul %reshape3A_579, %get3A_584, %dot_general3A_585 {dimension_numbers = #tpu.dot_dimension_numbers<[1], [0], [0], [1], [0, 0, 1, 1], [], []>, transpose_lhs_hint = false} : vector<3136x128xf32>, vector<128x48xf32>, vector<3136x48xf32> -> vector<3136x48xf32>
    %add3A_587 = arith.addf %add3A_571, %dot_general3A_586 : vector<3136x48xf32>
    %get3A_588 = arith.constant 0 : index
    %get3A_589 = arith.constant 0 : index
    %get3A_590 = arith.constant 2 : index
    %get3A_591 = arith.constant 2 : index
    %get3A_592 = arith.constant 0 : index
    %get3A_593 = vector.load %arg13[%get3A_588, %get3A_589, %get3A_590, %get3A_591, %get3A_592] : memref<2x2x58x64x128xf32, #tpu.memory_space<vmem>>, vector<1x1x56x56x128xf32>
    %get3A_594 = vector.shape_cast %get3A_593 : vector<1x1x56x56x128xf32> to vector<56x56x128xf32>
    %reshape3A_595 = vector.shape_cast %get3A_594 : vector<56x56x128xf32> to vector<3136x128xf32>
    %get3A_596 = arith.constant 15 : index
    %get3A_597 = arith.constant 0 : index
    %get3A_598 = arith.constant 0 : index
    %get3A_599 = vector.load %arg8[%get3A_596, %get3A_597, %get3A_598] : memref<16x128x48xf32, #tpu.memory_space<vmem>>, vector<1x128x48xf32>
    %get3A_600 = vector.shape_cast %get3A_599 : vector<1x128x48xf32> to vector<128x48xf32>
    %dot_general3A_601 = arith.constant dense<0.000000e+00> : vector<3136x48xf32>
    %dot_general3A_602 = tpu.matmul %reshape3A_595, %get3A_600, %dot_general3A_601 {dimension_numbers = #tpu.dot_dimension_numbers<[1], [0], [0], [1], [0, 0, 1, 1], [], []>, transpose_lhs_hint = false} : vector<3136x128xf32>, vector<128x48xf32>, vector<3136x48xf32> -> vector<3136x48xf32>
    %add3A_603 = arith.addf %add3A_587, %dot_general3A_602 : vector<3136x48xf32>
    %get3A_604 = arith.constant 0 : index
    %get3A_605 = arith.constant 0 : index
    %get3A_606 = vector.load %arg9[%get3A_604, %get3A_605] : memref<1x48xf32, #tpu.memory_space<vmem>>, vector<1x48xf32>
    %add3A_607 = vector.broadcast %get3A_606 : vector<1x48xf32> to vector<3136x48xf32>
    %add3A_608 = arith.addf %add3A_603, %add3A_607 : vector<3136x48xf32>
    %reshape3A_609 = vector.shape_cast %add3A_608 : vector<3136x48xf32> to vector<56x56x48xf32>
    %swap3A_610 = arith.constant 0 : index
    %swap3A_611 = arith.constant 0 : index
    %swap3A_612 = arith.constant 0 : index
    %swap3A_613 = arith.constant 0 : index
    %swap3A_614 = vector.load %arg10[%swap3A_610, %swap3A_611, %swap3A_612, %swap3A_613] : memref<1x56x56x48xf32, #tpu.memory_space<vmem>>, vector<1x56x56x48xf32>
    %swap3A_615 = vector.shape_cast %swap3A_614 : vector<1x56x56x48xf32> to vector<56x56x48xf32>
    %swap3A_616 = vector.shape_cast %reshape3A_609 : vector<56x56x48xf32> to vector<1x56x56x48xf32>
    tpu.vector_store %arg10[%swap3A_610, %swap3A_611, %swap3A_612, %swap3A_613], %swap3A_616 {strides = array<i32>} : memref<1x56x56x48xf32, #tpu.memory_space<vmem>>, vector<1x56x56x48xf32>,
    return
  }
  func.func @transform_0(%arg0: i32) -> (i32, i32, i32, i32) {
    %c0_i32 = arith.constant 0 : i32
    %c0_i32_0 = arith.constant 0 : i32
    %c0_i32_1 = arith.constant 0 : i32
    %c0_i32_2 = arith.constant 0 : i32
    return %arg0, %c0_i32, %c0_i32_0, %c0_i32_1 : i32, i32, i32, i32
  }
  func.func @transform_1(%arg0: i32) -> (i32, i32, i32) {
    %c0_i32 = arith.constant 0 : i32
    %c0_i32_0 = arith.constant 0 : i32
    %c0_i32_1 = arith.constant 0 : i32
    %c0_i32_2 = arith.constant 0 : i32
    return %c0_i32, %c0_i32_0, %c0_i32_1 : i32, i32, i32
  }
  func.func @transform_2(%arg0: i32) -> (i32, i32) {
    %c0_i32 = arith.constant 0 : i32
    %c0_i32_0 = arith.constant 0 : i32
    %c0_i32_1 = arith.constant 0 : i32
    return %c0_i32, %c0_i32_0 : i32, i32
  }
  func.func @transform_3(%arg0: i32) -> (i32, i32, i32) {
    %c0_i32 = arith.constant 0 : i32
    %c0_i32_0 = arith.constant 0 : i32
    %c0_i32_1 = arith.constant 0 : i32
    %c0_i32_2 = arith.constant 0 : i32
    return %c0_i32, %c0_i32_0, %c0_i32_1 : i32, i32, i32
  }
  func.func @transform_4(%arg0: i32) -> (i32, i32, i32) {
    %c0_i32 = arith.constant 0 : i32
    %c0_i32_0 = arith.constant 0 : i32
    %c0_i32_1 = arith.constant 0 : i32
    %c0_i32_2 = arith.constant 0 : i32
    return %c0_i32, %c0_i32_0, %c0_i32_1 : i32, i32, i32
  }
  func.func @transform_5(%arg0: i32) -> (i32, i32) {
    %c0_i32 = arith.constant 0 : i32
    %c0_i32_0 = arith.constant 0 : i32
    %c0_i32_1 = arith.constant 0 : i32
    return %c0_i32, %c0_i32_0 : i32, i32
  }
  func.func @transform_6(%arg0: i32) -> (i32, i32) {
    %c0_i32 = arith.constant 0 : i32
    %c0_i32_0 = arith.constant 0 : i32
    %c0_i32_1 = arith.constant 0 : i32
    return %c0_i32, %c0_i32_0 : i32, i32
  }
  func.func @transform_7(%arg0: i32) -> (i32, i32, i32) {
    %c0_i32 = arith.constant 0 : i32
    %c0_i32_0 = arith.constant 0 : i32
    %c0_i32_1 = arith.constant 0 : i32
    %c0_i32_2 = arith.constant 0 : i32
    return %c0_i32, %c0_i32_0, %c0_i32_1 : i32, i32, i32
  }
  func.func @transform_8(%arg0: i32) -> (i32, i32) {
    %c0_i32 = arith.constant 0 : i32
    %c0_i32_0 = arith.constant 0 : i32
    %c0_i32_1 = arith.constant 0 : i32
    return %c0_i32, %c0_i32_0 : i32, i32
  }
  func.func @transform_9(%arg0: i32) -> (i32, i32, i32, i32) {
    %c0_i32 = arith.constant 0 : i32
    %c0_i32_0 = arith.constant 0 : i32
    %c0_i32_1 = arith.constant 0 : i32
    %c0_i32_2 = arith.constant 0 : i32
    return %arg0, %c0_i32, %c0_i32_0, %c0_i32_1 : i32, i32, i32, i32
  }
}

</mosaic_0001>

<sc_bundles>
// kernel: kernel.5.cloned.1.call-start
scs
__scs_entry_jumppad:
0x0: {  	(pc) =	sbr.rel $0x88, $3  }
0x1: {  	(tag) =	ssettag $0x0;
	lr =	simm.s32 $0x1  }
0x2: {  	[smem:$0x3F93] =	sst lr;
	_ =	strace $0xD0000000  }
0x3: {  	_ = 	snop  }
0x4: {  	_ = 	snop  }
0x5: {  	_ = 	snop  }
0x6: {  	_ = 	snop  }
0x7: {  	_ = 	snop  }
__scs_overlays_trampoline_lowered:
0x8: {  	[smem:$0x3FA2] =	sst s0  }
0x9: {  	[smem:$0x3FA3] =	sst s1  }
0xa: {  	[smem:$0x3FA4] =	sst s2  }
0xb: {  	[smem:$0x3FA5] =	sst s3  }
0xc: {  	[smem:$0x3FA6] =	sst s4  }
0xd: {  	[smem:$0x3FA7] =	sst s5  }
0xe: {  	[smem:$0x3FA8] =	sst s6  }
0xf: {  	[smem:$0x3FA9] =	sst s7  }
0x10: {  	[smem:$0x3FAA] =	sst s8  }
0x11: {  	[smem:$0x3FAB] =	sst s9;
	s0 =	simm.s32 @!p0 $0x0  }
0x12: {  	s1 =	sld [smem:$0x3F91];
	s0 =	simm.s32 @p0 $0x1  }
0x13: {  	[smem:$0x3FAC] =	sst s0;
	s0 =	simm.s32 @!p1 $0x0  }
0x14: {  	s2 =	sld [smem:$0x3F90];
	s0 =	simm.s32 @p1 $0x1  }
0x15: {  	[smem:$0x3FAD] =	sst s0;
	s0 =	simm.s32 @!p2 $0x0  }
0x16: {  	s3 =	sld [smem:$0x3FDB];
	s0 =	simm.s32 @p2 $0x1  }
0x17: {  	s4 =	simm.s32 $0x1BF5;
	[smem:$0x3FAF] =	sst s0  }
0x18: {  	s0 =	sld [smem:$0x3F92];
	_ =	swait.ge [sflag:s4], $0x0  }
0x19: {  	s7 =	sld [smem:$0x3F93]  }
0x1a: {  	s8 =	sadd.s32 $0xFFFFE003, lr  }
0x1b: {  	s9 =	sadd.s32 $0xFFFFFEF7, lr;
	s5 =	simm.s32 $0xFFFFFFFF;
	p2 =	slt.u32 s8, $0xFFFFF086  }
0x1c: {  	p1 =	slt.u32 s9, $0xF7A;
	s5 =	simm.s32 @!p2 $0x0  }
0x1d: {  	s5 =	simm.s32 @p1 $0x1;
	p0 =	seq.s32 s7, s2  }
0x1e: {  	s7 =	smul.u32 @!p0 $0xF7A, s2;
	p2 =	seq.s32 @!p0 s5, $0x0  }
0x1f: {  	s9 =	smul.u32 $0xF7A, s1;
	s8 =	simm.s32 @!p0 $0x1BF5;
	p2 =	por !p2, p0  }
0x20: {  	[sflag:s8] =	ssyncset.s32 @!p0 $0xFFFFF086;
	s6 =	sadd.s32 @!p0 s3, s7;
	s7 =	simm.s32 @!p0 $0x108  }
0x21: {  	s3 =	sadd.s32 s3, s9;
	s6 =	sadd.s32 @!p0 $0x88, s6;
	s7 =	simm.s32 @p2 $0x1082  }
0x22: {  	[simem:s7], [sflag:s8] =	dma.local @!p0 [hbm:s6], $0xF7A  }
0x23: {  	s9 =	sor.u32 $0xD0000000, s2;
	s6 =	simm.s32 $0x108;
	_ =	swait.ge @!p0 [sflag:s8], $0x0  }
0x24: {  	s3 =	sadd.s32 $0x88, s3;
	s6 =	simm.s32 @!p1 $0x1082;
	[sflag:s4] =	ssyncset.s32 $0xFFFFF086  }
0x25: {  	[simem:s6], [sflag:s4] =	dma.local [hbm:s3], $0xF7A  }
0x26: {  	[smem:$0x3F93] =	sst s1;
	(tag) =	ssettag s2;
	_ =	strace s9  }
0x27: {  	s1 =	sld [smem:$0x3FA3]  }
0x28: {  	s2 =	sld [smem:$0x3FA4]  }
0x29: {  	s4 =	sld [smem:$0x3FA6]  }
0x2a: {  	p0 =	seq.s32 s5, $0x0;
	s5 =	sld [smem:$0x3FA7]  }
0x2b: {  	s6 =	sld [smem:$0x3FA8]  }
0x2c: {  	s7 =	sld [smem:$0x3FA9]  }
0x2d: {  	s3 =	simm.s32 $0x108;
	s8 =	sld [smem:$0x3FAA]  }
0x2e: {  	s3 =	simm.s32 @!p0 $0x1082;
	s9 =	sld [smem:$0x3FAB]  }
0x2f: {  	lr =	sadd.s32 s0, s3;
	s0 =	sld [smem:$0x3FA2]  }
0x30: {  	s3 =	sld [smem:$0x3FA5]  }
0x31: {  	[smem:$0x3FAE] =	sst s10  }
0x32: {  	s10 =	sld [smem:$0x3FAC];
	_ =	sdelay $0x3  }
0x33: {  	p0 =	seq.s32 s10, $0x1;
	s10 =	sld [smem:$0x3FAE];
	_ =	sdelay $0x3  }
0x34: {  	[smem:$0x3FAE] =	sst s10  }
0x35: {  	s10 =	sld [smem:$0x3FAD];
	_ =	sdelay $0x3  }
0x36: {  	p1 =	seq.s32 s10, $0x1;
	s10 =	sld [smem:$0x3FAE];
	_ =	sdelay $0x3  }
0x37: {  	[smem:$0x3FAE] =	sst s10  }
0x38: {  	s10 =	sld [smem:$0x3FAF]  }
0x39: {  	_ = 	snop;
	(pc) =	sbr.ind lr, $3  }
0x3a: {  	_ = 	snop  }
0x3b: {  	_ = 	snop  }
0x3c: {  	p2 =	seq.s32 s10, $0x1;
	s10 =	sld [smem:$0x3FAE]  }
0x3d: {  	_ =	shalt  }
0x3e: {  	_ =	shalt  }
0x3f: {  	_ =	shalt  }
0x40: {  	_ =	shalt  }
0x41: {  	_ =	shalt  }
0x42: {  	_ =	shalt  }
0x43: {  	_ =	shalt  }
0x44: {  	_ =	shalt  }
0x45: {  	_ =	shalt  }
0x46: {  	_ =	shalt  }
0x47: {  	_ =	shalt  }
0x48: {  	_ =	shalt  }
0x49: {  	_ =	shalt  }
0x4a: {  	_ =	shalt  }
0x4b: {  	_ =	shalt  }
0x4c: {  	_ =	shalt  }
0x4d: {  	_ =	shalt  }
0x4e: {  	_ =	shalt  }
0x4f: {  	_ =	shalt  }
0x50: {  	_ =	shalt  }
0x51: {  	_ =	shalt  }
0x52: {  	_ =	shalt  }
0x53: {  	_ =	shalt  }
0x54: {  	_ =	shalt  }
0x55: {  	_ =	shalt  }
0x56: {  	_ =	shalt  }
0x57: {  	_ =	shalt  }
0x58: {  	_ =	shalt  }
0x59: {  	_ =	shalt  }
0x5a: {  	_ =	shalt  }
0x5b: {  	_ =	shalt  }
0x5c: {  	_ =	shalt  }
0x5d: {  	_ =	shalt  }
0x5e: {  	_ =	shalt  }
0x5f: {  	_ =	shalt  }
0x60: {  	_ =	shalt  }
0x61: {  	_ =	shalt  }
0x62: {  	_ =	shalt  }
0x63: {  	_ =	shalt  }
0x64: {  	_ =	shalt  }
0x65: {  	_ =	shalt  }
0x66: {  	_ =	shalt  }
0x67: {  	_ =	shalt  }
0x68: {  	_ =	shalt  }
0x69: {  	_ =	shalt  }
0x6a: {  	_ =	shalt  }
0x6b: {  	_ =	shalt  }
0x6c: {  	_ =	shalt  }
0x6d: {  	_ =	shalt  }
0x6e: {  	_ =	shalt  }
0x6f: {  	_ =	shalt  }
0x70: {  	_ =	shalt  }
0x71: {  	_ =	shalt  }
0x72: {  	_ =	shalt  }
0x73: {  	_ =	shalt  }
0x74: {  	_ =	shalt  }
0x75: {  	_ =	shalt  }
0x76: {  	_ =	shalt  }
0x77: {  	_ =	shalt  }
0x78: {  	_ =	shalt  }
0x79: {  	_ =	shalt  }
0x7a: {  	_ =	shalt  }
0x7b: {  	_ =	shalt  }
0x7c: {  	_ =	shalt  }
0x7d: {  	_ =	shalt  }
0x7e: {  	_ =	shalt  }
0x7f: {  	_ =	shalt  }
0x80: {  	_ =	shalt  }
0x81: {  	_ =	shalt  }
0x82: {  	_ =	shalt  }
0x83: {  	_ =	shalt  }
0x84: {  	_ =	shalt  }
0x85: {  	_ =	shalt  }
0x86: {  	_ =	shalt  }
0x87: {  	_ =	shalt  }
.Lfunc_end0:
.L_simem_size_0:
called_computation_lowered:
.L_overlay_start_0:
0x88: {  	s2 =	sld [smem:$0x3FD9]  }
0x89: {  	s3 =	sld [smem:$0x3FFE];
	_ =	sdelay $0x1  }
0x8a: {  	s1 =	srdreg.scid  }
0x8b: {  	s0 =	sand.u32 $0x1, s1  }
0x8c: {  	s14 =	sshll.u32 s0, $0xA;
	s2 =	sadd.s32 s3, s2  }
0x8d: {  	s2 =	sadd.s32 s2, s14  }
0x8e: {  	[smem:$0x3FBA] =	sst s2  }
0x8f: {  	_ = 	snop  }
0x90: {  	s2 =	sld [smem:$0x3FD0];
	_ =	sdelay $0x2  }
0x91: {  	s15 =	simm.s32 $0xA;
	s4 =	simm.s32 $0x10  }
0x92: {  	[smem:s4], [sflag:s15] =	dma.local [hbm:s2], $0x1  }
0x93: {  	_ =	swait.eq [sflag:s15], $0x1  }
0x94: {  	[sflag:s15] =	ssyncset.done $0x0  }
0x95: {  	[sflag:s15] =	ssyncadd.s32 $0xFFFFFFFF  }
0x96: {  	s16 =	sld [smem:$0x10];
	(tm) =	ssettm $0x1  }
0x97: {  	s17 =	sld [smem:$0x3FFB];
	_ =	sdelay $0x3  }
0x98: {  	_ =	strace s17  }
0x99: {  	s3 =	sld [smem:$0x3FFC];
	_ =	sdelay $0x3  }
0x9a: {  	_ =	strace s3  }
0x9b: {  	s3 =	sld [smem:$0x3FFD];
	_ =	sdelay $0x3  }
0x9c: {  	_ =	strace s3  }
0x9d: {  	_ =	strace $0x8FFFFFFF  }
0x9e: {  	s18 =	sld [smem:$0x3FDB];
	_ =	sdelay $0x1  }
0x9f: {  	s19 =	simm.s32 $_scs_section_size  }
0xa0: {  	s5 =	simm.s32 $_size__tile_overlayer_lowered;
	s6 =	simm.s32 $_tile_overlayer_lowered  }
0xa1: {  	s22 =	simm.s32 $0x1BFF;
	s21 =	sshll.u32 s6, $0x1;
	s3 =	sadd.s32 s19, s18  }
0xa2: {  	s7 =	simm.s32 $0x0;
	s20 =	sshll.u32 s5, $0x1;
	s5 =	sadd.s32 s21, s3  }
0xa3: {  	[timem:s7], [sflag:s22] =	dma.local [hbm:s5], s20  }
0xa4: {  	_ =	swait.ge [sflag:s22], s20  }
0xa5: {  	s4 =	ssub.s32 $0x0, s20;
	[sflag:s22] =	ssyncset.done $0x0  }
0xa6: {  	[sflag:s22] =	ssyncadd.s32 s4;
	_ =	sdelay $0x1  }
0xa7: {  	s23 =	simm.s32 $0x1B8B  }
0xa8: {  	_ =	swait.ge [sflag:s23], $0x1  }
0xa9: {  	[sflag:s23] =	ssyncset.done $0x0  }
0xaa: {  	s25 =	simm.s32 $0x1B8E;
	s24 =	sld [smem:$0x3FFE];
	[sflag:s23] =	ssyncadd.s32 $0xFFFFFFFF  }
0xab: {  	s26 =	simm.s32 $execute0_lowered;
	[smem:$0x3FD2] =	sst s25  }
0xac: {  	s5 =	sshll.u32 s26, $0x1;
	_ =	strace $0x80000046;
	[dreg:$0x1] =	wrdreg $0xFFFFFFFF  }
0xad: {  	s28 =	simm.s32 $_size_execute0_lowered;
	s3 =	sadd.s32 s3, s5;
	[dreg:$0x0] =	wrdreg $0x0  }
0xae: {  	s5 =	sshll.u32 s28, $0x1;
	[dreg:$0x2] =	wrdreg s3  }
0xaf: {  	[dreg:$0x3] =	wrdreg s5  }
0xb0: {  	[dreg:$0x4] =	wrdreg $0xC0  }
0xb1: {  	_ =	task [dreg:s7], $0x5FFFF  }
0xb2: {  	[dreg:$0x1] =	wrdreg $0xFFFFFFFF  }
0xb3: {  	[dreg:$0x0] =	wrdreg $0x60  }
0xb4: {  	[dreg:$0x2] =	wrdreg s16  }
0xb5: {  	[dreg:$0x3] =	wrdreg s24  }
0xb6: {  	[dreg:$0x4] =	wrdreg $0x9  }
0xb7: {  	_ =	task.clear_ibuf [dreg:s7], $0x5FFFF;
	_ =	strace $0x90000046  }
0xb8: {  	s29 =	simm.s32 $0x9;
	_ =	strace $0x80000048  }
0xb9: {  	_ =	swait.ge [sflag:s29], $0x1  }
0xba: {  	[sflag:s29] =	ssyncadd.s32 $0xFFFFFFFF  }
0xbb: {  	_ =	strace $0x90000048  }
0xbc: {  	_ =	sfence  }
0xbd: {  	s30 =	sld [smem:$0x0];
	_ =	sdelay $0x2  }
0xbe: {  	s31 =	sshll.u32 s1, $0xD;
	s1 =	sshrl.u32 s1, $0x2  }
0xbf: {  	s3 =	sand.u32 $0x4000, s31;
	s1 =	sadd.s32 s1, s30  }
0xc0: {  	s0 =	sor.u32 s3, s0;
	s1 =	sshll.u32 s1, $0x11  }
0xc1: {  	s0 =	sor.u32 s1, s0  }
0xc2: {  	s0 =	sadd.s32 $0x8F2B, s0  }
0xc3: {  	[sflag:s0] =	ssyncadd.remote.s32 $0x1  }
0xc4: {  	_ =	sfence.sel $0xFFFF  }
0xc5: {  	[dreg:$0x0] =	wrdreg $0xFFFFFFFF;
	(pc) =	sbr.abs _section_cstart, $3  }
0xc6: {  	[dreg:$0x1] =	wrdreg $0xFFFFFFFF  }
0xc7: {  	_ =	task.clear_ibuf [dreg:s7], $0x2FFFF;
	_ =	strace $0x9FFFFFFF  }
0xc8: {  	(tm) =	ssettm $0x7FFFFFFF  }
0xc9: {  	_ =	shalt  }
tec
execute0_lowered:
.L_overlay_start_1:
0x0: {  	(tag) =	ssettag $0x1  }
0x1: {  	s1 =	srdreg.scid;
	s0 =	stileid.u32  }
0x2: {  	s2 =	rddreg [dreg:$0x0];
	s11 =	sand.u32 $0x1, s1;
	s28 =	sshll.u32 s0, $0x1  }
0x3: {  	s9 =	rddreg [dreg:$0x1];
	s10 =	sor.u32 s11, s28  }
0x4: {  	s3 =	simm.s32 $0x0;
	s1 =	rddreg [dreg:$0x2];
	s4 =	smul.u32 $0xC4, s10  }
0x5: {  	[smem:$0x7FF] =	sst s3;
	s12 =	sadd.s32 $0x4800, s9  }
0x6: {  	_ =	strace $0x80000047;
	s5 =	sadd.s32 s12, s4;
	s4 =	simm.s32 $0x2  }
0x7: {  	[tilespmem:s3], [sflag:$0x2] =	stream.linear.gather [hbm4b:s5+s3], $0x310, $0x38;
	[tilespmem:$0x18B80] =	vst v63  }
0x8: {  	_ =	swait.ge [sflag:s4], $0x310  }
0x9: {  	s6 =	simm.s32 $0x310;
	[sflag:s4] =	ssyncset.done $0x0  }
0xa: {  	s7 =	simm.s32 $0x380;
	s8 =	simm.s32 $0x1;
	[sflag:s4] =	ssyncadd.s32 $0xFFFFFCF0  }
0xb: {  	[tilespmem:s7], [sflag:$0x1] =	stream.indirect.gather [hbm4b:s2+s6], $0x80, s3, s6, $0xb8;
	[tilespmem:$0x18B80] =	vst v63  }
0xc: {  	s13 =	smul.u32 $0x6200, s10;
	_ =	swait.ge [sflag:s8], $0x18800  }
0xd: {  	s14 =	sadd.s32 $0x6200, s9;
	[sflag:s8] =	ssyncset.done $0x0  }
0xe: {  	s10 =	smul.u32 $0x620, s10;
	s9 =	sadd.s32 s14, s13;
	[sflag:s8] =	ssyncadd.s32 $0xFFFE7800  }
0xf: {  	[hbm4b:s9+s3] =	stream.linear.scatter [tilespmem:s7], [sflag:$0x2], $0x18800, $0x38;
	[tilespmem:$0x18B80] =	vst v63  }
0x10: {  	s29 =	sadd.s32 $0x310, s10;
	_ =	swait.ge [sflag:s4], $0x18800  }
0x11: {  	s10 =	sshrl.u32 s29, $0x3;
	[sflag:s4] =	ssyncset.done $0x0  }
0x12: {  	s11 =	ssub.s32 $0x2, s11;
	s10 =	sadd.s32 s12, s10;
	[sflag:s4] =	ssyncadd.s32 $0xFFFE7800  }
0x13: {  	[tilespmem:s3], [sflag:$0x2] =	stream.linear.gather [hbm4b:s10+s3], $0x310, $0x38;
	[tilespmem:$0x18B80] =	vst v63  }
0x14: {  	s30 =	sshrl.u32 s11, $0x1;
	_ =	swait.ge [sflag:s4], $0x310  }
0x15: {  	s12 =	ssub.s32 s11, s30;
	[sflag:s4] =	ssyncset.done $0x0  }
0x16: {  	s12 =	smax.u32 s12, $0x1;
	[sflag:s4] =	ssyncadd.s32 $0xFFFFFCF0  }
0x17: {  	[tilespmem:s7], [sflag:$0x1] =	stream.indirect.gather [hbm4b:s2+s6], $0x80, s3, s6, $0xb8;
	[tilespmem:$0x18B80] =	vst v63  }
0x18: {  	p0 =	sne.s32 s12, $0x1;
	_ =	swait.ge [sflag:s8], $0x18800  }
.Ltmp0:
0x19: {  	s31 =	sshll.u32 s29, $0x4;
	[sflag:s8] =	ssyncset.done $0x0;
	(pc) =	sbr.rel @!p0 .LBB2_2-.Ltmp0, $4  }
0x1a: {  	s11 =	sadd.s32 s14, s31;
	[sflag:s8] =	ssyncadd.s32 $0xFFFE7800  }
0x1b: {  	[hbm4b:s11+s3] =	stream.linear.scatter [tilespmem:s7], [sflag:$0x2], $0x18800, $0x38;
	[tilespmem:$0x18B80] =	vst v63  }
0x1c: {  	_ =	swait.ge [sflag:s4], $0x18800  }
0x1d: {  	s12 =	sadd.s32 $0xFFFFFFFF, s12;
	[sflag:s4] =	ssyncset.done $0x0  }
.LBB2_1:
0x1e: {  	p0 =	sne.s32 s12, $0x1;
	s12 =	sadd.s32 $0xFFFFFFFF, s12;
	[sflag:s4] =	ssyncadd.s32 $0xFFFE7800  }
0x1f: {  	[tilespmem:s3], [sflag:$0x2] =	stream.linear.gather [hbm4b:s5+s3], $0x310, $0x38;
	[tilespmem:$0x18B80] =	vst v63  }
0x20: {  	_ =	swait.ge [sflag:s4], $0x310  }
0x21: {  	[sflag:s4] =	ssyncset.done $0x0  }
0x22: {  	[sflag:s4] =	ssyncadd.s32 $0xFFFFFCF0  }
0x23: {  	[tilespmem:s7], [sflag:$0x1] =	stream.indirect.gather [hbm4b:s2+s6], $0x80, s3, s6, $0xb8;
	[tilespmem:$0x18B80] =	vst v63  }
0x24: {  	_ =	swait.ge [sflag:s8], $0x18800  }
0x25: {  	[sflag:s8] =	ssyncset.done $0x0  }
0x26: {  	[sflag:s8] =	ssyncadd.s32 $0xFFFE7800  }
0x27: {  	[hbm4b:s9+s3] =	stream.linear.scatter [tilespmem:s7], [sflag:$0x2], $0x18800, $0x38;
	[tilespmem:$0x18B80] =	vst v63  }
0x28: {  	_ =	swait.ge [sflag:s4], $0x18800  }
0x29: {  	[sflag:s4] =	ssyncset.done $0x0  }
0x2a: {  	[sflag:s4] =	ssyncadd.s32 $0xFFFE7800  }
0x2b: {  	[tilespmem:s3], [sflag:$0x2] =	stream.linear.gather [hbm4b:s10+s3], $0x310, $0x38;
	[tilespmem:$0x18B80] =	vst v63  }
0x2c: {  	_ =	swait.ge [sflag:s4], $0x310  }
0x2d: {  	[sflag:s4] =	ssyncset.done $0x0  }
0x2e: {  	[sflag:s4] =	ssyncadd.s32 $0xFFFFFCF0  }
0x2f: {  	[tilespmem:s7], [sflag:$0x1] =	stream.indirect.gather [hbm4b:s2+s6], $0x80, s3, s6, $0xb8;
	[tilespmem:$0x18B80] =	vst v63  }
0x30: {  	_ =	swait.ge [sflag:s8], $0x18800  }
.Ltmp1:
0x31: {  	[sflag:s8] =	ssyncset.done $0x0;
	(pc) =	sbr.rel @p0 .LBB2_1-.Ltmp1, $4  }
0x32: {  	[sflag:s8] =	ssyncadd.s32 $0xFFFE7800  }
0x33: {  	[hbm4b:s11+s3] =	stream.linear.scatter [tilespmem:s7], [sflag:$0x2], $0x18800, $0x38;
	[tilespmem:$0x18B80] =	vst v63  }
0x34: {  	_ =	swait.ge [sflag:s4], $0x18800  }
0x35: {  	[sflag:s4] =	ssyncset.done $0x0  }
.LBB2_2:
0x36: {  	[sflag:s4] =	ssyncadd.s32 $0xFFFE7800  }
0x37: {  	_ =	sfence.sel $0x180000  }
0x38: {  	[bflag:$0x0] =	sbarrier.arrive $0xFFFF  }
0x39: {  	p0 =	sne.s32 s0, $0x0;
	_ =	strace $0x90000047  }
0x3a: {  	s0 =	sadd.s32 @!p0 $0x100000, s1;
	[bflag:$0x2] =	sbarrier.arrive $0xFFFF  }
0x3b: {  	[sflag:s0] =	ssyncadd.tile.s32 @!p0 $0x1;
	_ =	shalt  }
.Lfunc_end2:
_tile_overlayer_lowered:
.L_overlay_start_2:
0x3c: {  	(tag) =	ssettag $0x2  }
0x3d: {  	s0 =	rddreg [dreg:$0x0];
	s2 =	stileid.u32  }
0x3e: {  	s1 =	rddreg [dreg:$0x1];
	p0 =	sne.s32 s2, $0x0  }
0x3f: {  	s3 =	rddreg [dreg:$0x2];
	[bflag:$0x3] =	sbarrier.arrive $0xFFFF;
	s2 =	simm.s32 @!p0 $0x1C02  }
0x40: {  	[timem:s3], [sflag:s2] =	dma.local @!p0 [hbm:s0], s1  }
0x41: {  	s0 =	simm.s32 @!p0 $0x2  }
0x42: {  	_ =	swait.ge @!p0 [sflag:s0], s1  }
0x43: {  	s1 =	ssub.s32 @!p0 $0x0, s1;
	[sflag:s0] =	ssyncset.done @!p0 $0x0  }
0x44: {  	[sflag:s0] =	ssyncadd.s32 @!p0 s1  }
0x45: {  	[bflag:$0x3] =	sbarrier.arrive $0xFFFF  }
0x46: {  	_ =	shalt  }

</sc_bundles>
